<compile_context>
chip_gen: v7x
topology: tpu7x:2x2x1
jax: 0.10.2.dev20260603
libtpu: 0.0.44.dev20260713+nightly
codegen_flags: <defaults>
</compile_context>

<pallas_src>
import functools
import math

import jax
import jax.numpy as jnp
from jax import lax
from jax.experimental import pallas as pl
from jax.experimental.pallas import tpu as pltpu
from jax.experimental.pallas import tpu_sc as plsc

D_MODEL = 64
SCALE = math.sqrt(D_MODEL)
LANES = 16

NUM_CORES = 2
NUM_SUBCORES = 16
NW = NUM_CORES * NUM_SUBCORES

SEQ = 200
BATCH = 4096
BW = BATCH // NW
TR = SEQ // 8
BW_PAD = BW + 1
NBUF = 4
FIRE_AHEAD = 2

_mesh = plsc.VectorSubcoreMesh(core_axis_name="c", subcore_axis_name="s")


@functools.partial(
    pl.kernel,
    out_type=jax.ShapeDtypeStruct((SEQ, D_MODEL, BATCH), jnp.float32),
    mesh=_mesh,
    scratch_types=[
        pltpu.VMEM((TR, 8, BW), jnp.int32),
        [pltpu.VMEM((BW, D_MODEL), jnp.float32) for _ in range(NBUF)],
        [pltpu.VMEM((D_MODEL, BW_PAD), jnp.float32) for _ in range(NBUF)],
        [pltpu.SemaphoreType.DMA for _ in range(NBUF)],
        [pltpu.SemaphoreType.DMA for _ in range(NBUF)],
    ],
    compiler_params=pltpu.CompilerParams(
        use_tc_tiling_on_sc=False,
        needs_layout_passes=False,
        skip_device_barrier=True,
        disable_bounds_checks=True
    ),
)
def _emb_lookup(xt_hbm, table_hbm, out_hbm, idx_v, rows, trans, sem_g, sem_s):
    wid = lax.axis_index("s") * NUM_CORES + lax.axis_index("c")
    bbase = wid * BW

    pltpu.sync_copy(xt_hbm.at[:, wid], idx_v)

    lane = lax.iota(jnp.int32, LANES)

    def idx_slice(t):
        return idx_v.at[lax.shift_right_logical(t, 3), t & 7]

    def fire_gather(t, b):
        pltpu.async_copy(table_hbm.at[idx_slice(t)], rows[b], sem_g[b])

    def wait_gather(b):
        pltpu.make_async_copy(
            table_hbm.at[idx_v.at[0, 0]], rows[b], sem_g[b]
        ).wait()

    def wait_store(b):
        pltpu.make_async_copy(
            trans[b].at[:, pl.ds(0, BW)], out_hbm.at[0, :, pl.ds(0, BW)], sem_s[b]
        ).wait()

    for t in range(FIRE_AHEAD):
        pltpu.async_copy(table_hbm.at[idx_v.at[0, t]], rows[t], sem_g[t])

    def outer(t0, carry):
        for b in range(NBUF):
            t = t0 * NBUF + b
            fb = (b + FIRE_AHEAD) % NBUF

            @pl.when(t + FIRE_AHEAD < SEQ)
            def _():
                fire_gather(t + FIRE_AHEAD, fb)

            wait_gather(b)

            @pl.when(t >= NBUF)
            def _():
                wait_store(b)

            @plsc.parallel_loop(0, BW, unroll=4)
            def _(i):
                coli = jnp.full((LANES,), i, dtype=jnp.int32)
                for q in range(D_MODEL // LANES):
                    v = rows[b][i, pl.ds(q * LANES, LANES)] * SCALE
                    plsc.store_scatter(trans[b], [lane + (q * LANES), coli], v)

            pltpu.async_copy(
                trans[b].at[:, pl.ds(0, BW)],
                out_hbm.at[t, :, pl.ds(bbase, BW)],
                sem_s[b],
            )
        return carry

    lax.fori_loop(0, SEQ // NBUF, outer, 0)

    for b in range(NBUF):
        wait_store(b)


def kernel(x, table):
    xt4 = (
        jnp.transpose(x.astype(jnp.int32))
        .reshape(TR, 8, NW, BW)
        .transpose(0, 2, 1, 3)
    )
    out = _emb_lookup(xt4, table)
    return jnp.transpose(out, (2, 0, 1))

# --- scband reference (transcript-rebuilt; emitter-appended) ---
"""Pipeline reference for scband-embedding-82575041233051 (READ-ONLY COPY).

The authoritative reference and input builder live on the scoring server;
editing this copy changes nothing except your own understanding.
"""

import jax, jax.numpy as jnp
import numpy as np
import math

D_MODEL = 64
VOCAB_SIZE = 1000000

def setup_inputs(seed: int = 0) -> dict:
    key = jax.random.key(seed)
    k1, k2 = jax.random.split(key)
    x = jax.random.randint(k1, (4096, 200), 0, VOCAB_SIZE, dtype=jnp.int64 if jax.config.jax_enable_x64 else jnp.int32)
    table = jax.random.normal(k2, (VOCAB_SIZE, D_MODEL), dtype=jnp.float32)
    return {"x": x, "table": table}

def reference(x, table):
    # nn.Embedding lookup followed by scaling by sqrt(d_model)
    embedded = jnp.take(table, x, axis=0)
    return embedded * math.sqrt(D_MODEL)

if __name__ == "__main__":
    import jax
    _d = setup_inputs()
    print(jax.jit(kernel)(*tuple(_d.values())))

</pallas_src>

<mosaic_0001>
#map = affine_map<(d0, d1) -> (0, 0, 0, 0)>
#map1 = affine_map<(d0, d1) -> (0, 0)>
#map2 = affine_map<(d0, d1) -> (0, 0, 0)>
module attributes {stable_mosaic.version = 14 : i64} {
  func.func @_emb_lookup(%arg0: i32, %arg1: i32, %arg2: memref<25x32x8x128xi32, #tpu.memory_space<hbm>>, %arg3: memref<1000000x64xf32, #tpu.memory_space<hbm>>, %arg4: memref<200x64x4096xf32, #tpu.memory_space<hbm>>, %arg5: memref<25x8x128xi32, #tpu.memory_space<vmem>>, %arg6: memref<128x64xf32, #tpu.memory_space<vmem>>, %arg7: memref<128x64xf32, #tpu.memory_space<vmem>>, %arg8: memref<128x64xf32, #tpu.memory_space<vmem>>, %arg9: memref<128x64xf32, #tpu.memory_space<vmem>>, %arg10: memref<64x129xf32, #tpu.memory_space<vmem>>, %arg11: memref<64x129xf32, #tpu.memory_space<vmem>>, %arg12: memref<64x129xf32, #tpu.memory_space<vmem>>, %arg13: memref<64x129xf32, #tpu.memory_space<vmem>>, %arg14: memref<!tpu.dma_semaphore, #tpu.memory_space<semaphore_mem>>, %arg15: memref<!tpu.dma_semaphore, #tpu.memory_space<semaphore_mem>>, %arg16: memref<!tpu.dma_semaphore, #tpu.memory_space<semaphore_mem>>, %arg17: memref<!tpu.dma_semaphore, #tpu.memory_space<semaphore_mem>>, %arg18: memref<!tpu.dma_semaphore, #tpu.memory_space<semaphore_mem>>, %arg19: memref<!tpu.dma_semaphore, #tpu.memory_space<semaphore_mem>>, %arg20: memref<!tpu.dma_semaphore, #tpu.memory_space<semaphore_mem>>, %arg21: memref<!tpu.dma_semaphore, #tpu.memory_space<semaphore_mem>>) attributes {dimension_semantics = [#tpu.dimension_semantics<core_parallel>, #tpu.dimension_semantics<subcore_parallel>], iteration_bounds = array<i64: 2, 16>, scalar_prefetch = 0 : i64, scratch_operands = 17 : i64, tpu.core_type = #tpu.core_type<sc_vector_subcore>, window_params = [{transform_indices = #map}, {transform_indices = #map1}, {transform_indices = #map2}]} {
    %mul3A = arith.constant 2 : i32
    %mul3A_0 = arith.muli %arg1, %mul3A : i32
    %add3A = arith.addi %mul3A_0, %arg0 : i32
    %mul3A_1 = arith.constant 128 : i32
    %mul3A_2 = arith.muli %add3A, %mul3A_1 : i32
    "tpu.region"() ({
      %run_scoped3A = tpu.sem_alloc : memref<!tpu.dma_semaphore, #tpu.memory_space<semaphore_mem>>
      %dma_start3A_82 = arith.constant 0 : i32
      %dma_start3A_83 = arith.constant 0 : i32
      %dma_start3A_84 = arith.constant 0 : i32
      %dma_start3A_85 = tpu.memref_slice %arg2[%dma_start3A_82, %add3A, %dma_start3A_83, %dma_start3A_84] : memref<25x32x8x128xi32, #tpu.memory_space<hbm>> -> memref<25x1x8x128xi32, #tpu.memory_space<hbm>>
      %dma_start3A_86 = tpu.memref_squeeze %dma_start3A_85 : memref<25x1x8x128xi32, #tpu.memory_space<hbm>> -> memref<25x8x128xi32, #tpu.memory_space<hbm>>
      %dma_start3A_87 = arith.constant 0 : i32
      %dma_start3A_88 = arith.constant 0 : i32
      %dma_start3A_89 = arith.constant 0 : i32
      %dma_start3A_90 = tpu.memref_slice %arg2[%dma_start3A_87, %add3A, %dma_start3A_88, %dma_start3A_89] : memref<25x32x8x128xi32, #tpu.memory_space<hbm>> -> memref<25x1x8x128xi32, #tpu.memory_space<hbm>>
      %dma_start3A_91 = tpu.memref_squeeze %dma_start3A_90 : memref<25x1x8x128xi32, #tpu.memory_space<hbm>> -> memref<25x8x128xi32, #tpu.memory_space<hbm>>
      tpu.enqueue_dma source(%dma_start3A_91 : memref<25x8x128xi32, #tpu.memory_space<hbm>>) target(%arg5 : memref<25x8x128xi32, #tpu.memory_space<vmem>>) target_semaphore(%run_scoped3A : memref<!tpu.dma_semaphore, #tpu.memory_space<semaphore_mem>>)
      %dma_wait3A_92 = arith.constant 0 : i32
      %dma_wait3A_93 = arith.constant 0 : i32
      %dma_wait3A_94 = arith.constant 0 : i32
      %dma_wait3A_95 = tpu.memref_slice %arg2[%dma_wait3A_92, %add3A, %dma_wait3A_93, %dma_wait3A_94] : memref<25x32x8x128xi32, #tpu.memory_space<hbm>> -> memref<25x1x8x128xi32, #tpu.memory_space<hbm>>
      %dma_wait3A_96 = tpu.memref_squeeze %dma_wait3A_95 : memref<25x1x8x128xi32, #tpu.memory_space<hbm>> -> memref<25x8x128xi32, #tpu.memory_space<hbm>>
      %dma_wait3A_97 = arith.constant 0 : i32
      %dma_wait3A_98 = arith.constant 0 : i32
      %dma_wait3A_99 = arith.constant 0 : i32
      %dma_wait3A_100 = tpu.memref_slice %arg2[%dma_wait3A_97, %add3A, %dma_wait3A_98, %dma_wait3A_99] : memref<25x32x8x128xi32, #tpu.memory_space<hbm>> -> memref<25x1x8x128xi32, #tpu.memory_space<hbm>>
      %dma_wait3A_101 = tpu.memref_squeeze %dma_wait3A_100 : memref<25x1x8x128xi32, #tpu.memory_space<hbm>> -> memref<25x8x128xi32, #tpu.memory_space<hbm>>
      tpu.wait_dma2 semaphore(%run_scoped3A : memref<!tpu.dma_semaphore, #tpu.memory_space<semaphore_mem>>) src(%dma_wait3A_101 : memref<25x8x128xi32, #tpu.memory_space<hbm>>) dst(%arg5 : memref<25x8x128xi32, #tpu.memory_space<vmem>>)
      tpu.yield
    }) : () -> ()
    %iota3A = tpu.iota {dimensions = array<i32: 0>} : vector<16xi32>
    %dma_start3A = arith.constant 0 : i32
    %dma_start3A_3 = arith.constant 0 : i32
    %dma_start3A_4 = arith.constant 0 : i32
    %dma_start3A_5 = tpu.memref_slice %arg5[%dma_start3A, %dma_start3A_3, %dma_start3A_4] : memref<25x8x128xi32, #tpu.memory_space<vmem>> -> memref<1x1x128xi32, #tpu.memory_space<vmem>>
    %dma_start3A_6 = tpu.memref_squeeze %dma_start3A_5 : memref<1x1x128xi32, #tpu.memory_space<vmem>> -> memref<128xi32, #tpu.memory_space<vmem>>
    %dma_start3A_7 = arith.constant 0 : i32
    %dma_start3A_8 = arith.constant 0 : i32
    %dma_start3A_9 = tpu.memref_slice %arg3[%dma_start3A_7, %dma_start3A_8] : memref<1000000x64xf32, #tpu.memory_space<hbm>> -> memref<1000000x64xf32, #tpu.memory_space<hbm>>
    tpu.enqueue_indirect_dma source(%dma_start3A_9 : memref<1000000x64xf32, #tpu.memory_space<hbm>>) target(%arg6 : memref<128x64xf32, #tpu.memory_space<vmem>>) offsets(%dma_start3A_6 : memref<128xi32, #tpu.memory_space<vmem>>) semaphore(%arg14 : memref<!tpu.dma_semaphore, #tpu.memory_space<semaphore_mem>>)
    %dma_start3A_10 = arith.constant 0 : i32
    %dma_start3A_11 = arith.constant 1 : i32
    %dma_start3A_12 = arith.constant 0 : i32
    %dma_start3A_13 = tpu.memref_slice %arg5[%dma_start3A_10, %dma_start3A_11, %dma_start3A_12] : memref<25x8x128xi32, #tpu.memory_space<vmem>> -> memref<1x1x128xi32, #tpu.memory_space<vmem>>
    %dma_start3A_14 = tpu.memref_squeeze %dma_start3A_13 : memref<1x1x128xi32, #tpu.memory_space<vmem>> -> memref<128xi32, #tpu.memory_space<vmem>>
    %dma_start3A_15 = arith.constant 0 : i32
    %dma_start3A_16 = arith.constant 0 : i32
    %dma_start3A_17 = tpu.memref_slice %arg3[%dma_start3A_15, %dma_start3A_16] : memref<1000000x64xf32, #tpu.memory_space<hbm>> -> memref<1000000x64xf32, #tpu.memory_space<hbm>>
    tpu.enqueue_indirect_dma source(%dma_start3A_17 : memref<1000000x64xf32, #tpu.memory_space<hbm>>) target(%arg7 : memref<128x64xf32, #tpu.memory_space<vmem>>) offsets(%dma_start3A_14 : memref<128xi32, #tpu.memory_space<vmem>>) semaphore(%arg15 : memref<!tpu.dma_semaphore, #tpu.memory_space<semaphore_mem>>)
    %scan3A = arith.constant 0 : i32
    %scan3A_18 = arith.constant 0 : i32
    %scan3A_19 = arith.constant 50 : i32
    %scan3A_20 = arith.addi %scan3A_18, %scan3A_19 : i32
    %scan3A_21 = arith.constant 1 : i32
    scf.for %scan3A_82 = %scan3A_18 to %scan3A_20 step %scan3A_21  : i32 {
      %mul3A_83 = arith.constant 4 : i32
      %mul3A_84 = arith.muli %scan3A_82, %mul3A_83 : i32
      %add3A_85 = arith.constant 0 : i32
      %add3A_86 = arith.addi %mul3A_84, %add3A_85 : i32
      %add3A_87 = arith.constant 2 : i32
      %add3A_88 = arith.addi %add3A_86, %add3A_87 : i32
      %lt3A = arith.constant 200 : i32
      %lt3A_89 = arith.cmpi slt, %add3A_88, %lt3A : i32
      %convert_element_type3A = arith.extui %lt3A_89 : i1 to i32
      %cond3A = arith.constant 0 : i32
      %cond3A_90 = arith.cmpi ne, %convert_element_type3A, %cond3A : i32
      scf.if %cond3A_90 {
        %add3A_234 = arith.constant 2 : i32
        %add3A_235 = arith.addi %add3A_86, %add3A_234 : i32
        %shift_right_logical3A = arith.constant 3 : i32
        %shift_right_logical3A_236 = arith.shrui %add3A_235, %shift_right_logical3A : i32
        %and3A = arith.constant 7 : i32
        %and3A_237 = arith.andi %add3A_235, %and3A : i32
        %dma_start3A_238 = arith.constant 0 : i32
        %dma_start3A_239 = tpu.memref_slice %arg5[%shift_right_logical3A_236, %and3A_237, %dma_start3A_238] : memref<25x8x128xi32, #tpu.memory_space<vmem>> -> memref<1x1x128xi32, #tpu.memory_space<vmem>>
        %dma_start3A_240 = tpu.memref_squeeze %dma_start3A_239 : memref<1x1x128xi32, #tpu.memory_space<vmem>> -> memref<128xi32, #tpu.memory_space<vmem>>
        %dma_start3A_241 = arith.constant 0 : i32
        %dma_start3A_242 = arith.constant 0 : i32
        %dma_start3A_243 = tpu.memref_slice %arg3[%dma_start3A_241, %dma_start3A_242] : memref<1000000x64xf32, #tpu.memory_space<hbm>> -> memref<1000000x64xf32, #tpu.memory_space<hbm>>
        tpu.enqueue_indirect_dma source(%dma_start3A_243 : memref<1000000x64xf32, #tpu.memory_space<hbm>>) target(%arg8 : memref<128x64xf32, #tpu.memory_space<vmem>>) offsets(%dma_start3A_240 : memref<128xi32, #tpu.memory_space<vmem>>) semaphore(%arg16 : memref<!tpu.dma_semaphore, #tpu.memory_space<semaphore_mem>>)
      } else {
      }
      %dma_wait3A_91 = arith.constant 0 : i32
      %dma_wait3A_92 = arith.constant 0 : i32
      %dma_wait3A_93 = arith.constant 0 : i32
      %dma_wait3A_94 = tpu.memref_slice %arg5[%dma_wait3A_91, %dma_wait3A_92, %dma_wait3A_93] : memref<25x8x128xi32, #tpu.memory_space<vmem>> -> memref<1x1x128xi32, #tpu.memory_space<vmem>>
      %dma_wait3A_95 = tpu.memref_squeeze %dma_wait3A_94 : memref<1x1x128xi32, #tpu.memory_space<vmem>> -> memref<128xi32, #tpu.memory_space<vmem>>
      %dma_wait3A_96 = arith.constant 0 : i32
      %dma_wait3A_97 = arith.constant 0 : i32
      %dma_wait3A_98 = tpu.memref_slice %arg3[%dma_wait3A_96, %dma_wait3A_97] : memref<1000000x64xf32, #tpu.memory_space<hbm>> -> memref<1000000x64xf32, #tpu.memory_space<hbm>>
      tpu.wait_indirect_dma semaphore(%arg14 : memref<!tpu.dma_semaphore, #tpu.memory_space<semaphore_mem>>) src(%dma_wait3A_98 : memref<1000000x64xf32, #tpu.memory_space<hbm>>) dst(%arg6 : memref<128x64xf32, #tpu.memory_space<vmem>>)
      %ge3A = arith.constant 4 : i32
      %ge3A_99 = arith.cmpi sge, %add3A_86, %ge3A : i32
      %convert_element_type3A_100 = arith.extui %ge3A_99 : i1 to i32
      %cond3A_101 = arith.constant 0 : i32
      %cond3A_102 = arith.cmpi ne, %convert_element_type3A_100, %cond3A_101 : i32
      scf.if %cond3A_102 {
        %dma_wait3A_234 = arith.constant 0 : i32
        %dma_wait3A_235 = arith.constant 0 : i32
        %dma_wait3A_236 = arith.constant 0 : i32
        %dma_wait3A_237 = tpu.memref_slice %arg10[%dma_wait3A_235, %dma_wait3A_236] : memref<64x129xf32, #tpu.memory_space<vmem>> -> memref<64x128xf32, #tpu.memory_space<vmem>>
        %dma_wait3A_238 = arith.constant 0 : i32
        %dma_wait3A_239 = arith.constant 0 : i32
        %dma_wait3A_240 = tpu.memref_slice %arg4[%dma_wait3A_234, %dma_wait3A_238, %dma_wait3A_239] : memref<200x64x4096xf32, #tpu.memory_space<hbm>> -> memref<1x64x128xf32, #tpu.memory_space<hbm>>
        %dma_wait3A_241 = tpu.memref_squeeze %dma_wait3A_240 : memref<1x64x128xf32, #tpu.memory_space<hbm>> -> memref<64x128xf32, #tpu.memory_space<hbm>>
        %dma_wait3A_242 = arith.constant 0 : i32
        %dma_wait3A_243 = arith.constant 0 : i32
        %dma_wait3A_244 = tpu.memref_slice %arg4[%dma_wait3A_234, %dma_wait3A_242, %dma_wait3A_243] : memref<200x64x4096xf32, #tpu.memory_space<hbm>> -> memref<1x64x128xf32, #tpu.memory_space<hbm>>
        %dma_wait3A_245 = tpu.memref_squeeze %dma_wait3A_244 : memref<1x64x128xf32, #tpu.memory_space<hbm>> -> memref<64x128xf32, #tpu.memory_space<hbm>>
        %dma_wait3A_246 = arith.constant 0 : i32
        %dma_wait3A_247 = arith.constant 0 : i32
        %dma_wait3A_248 = tpu.memref_slice %arg10[%dma_wait3A_246, %dma_wait3A_247] : memref<64x129xf32, #tpu.memory_space<vmem>> -> memref<64x128xf32, #tpu.memory_space<vmem>>
        tpu.wait_dma2 semaphore(%arg18 : memref<!tpu.dma_semaphore, #tpu.memory_space<semaphore_mem>>) src(%dma_wait3A_248 : memref<64x128xf32, #tpu.memory_space<vmem>>) dst(%dma_wait3A_245 : memref<64x128xf32, #tpu.memory_space<hbm>>)
      } else {
      }
      %parallel_loop3A = arith.constant 0 : i32
      %parallel_loop3A_103 = arith.constant 128 : i32
      %parallel_loop3A_104 = arith.constant 1 : i32
      scf.for %parallel_loop3A_234 = %parallel_loop3A to %parallel_loop3A_103 step %parallel_loop3A_104  : i32 {
        %parallel_loop3A_235 = vector.broadcast %parallel_loop3A_234 : i32 to vector<16xi32>
        %parallel_loop3A_236 = arith.index_cast %parallel_loop3A_234 : i32 to index
        %parallel_loop3A_237 = arith.constant 0 : index
        %parallel_loop3A_238 = tpu.vector_load %arg6[%parallel_loop3A_236, %parallel_loop3A_237] {strides = array<i32>} : memref<128x64xf32, #tpu.memory_space<vmem>>, vector<16xf32>,
        %parallel_loop3A_239 = arith.constant 8.000000e+00 : f32
        %parallel_loop3A_240 = vector.broadcast %parallel_loop3A_239 : f32 to vector<16xf32>
        %parallel_loop3A_241 = arith.mulf %parallel_loop3A_238, %parallel_loop3A_240 : vector<16xf32>
        %parallel_loop3A_242 = arith.constant 0 : i32
        %parallel_loop3A_243 = vector.broadcast %parallel_loop3A_242 : i32 to vector<16xi32>
        %parallel_loop3A_244 = arith.addi %iota3A, %parallel_loop3A_243 : vector<16xi32>
        tpu.vector_store_idx %arg10[%parallel_loop3A_244, %parallel_loop3A_235], %parallel_loop3A_241 : memref<64x129xf32, #tpu.memory_space<vmem>>[vector<16xi32>, vector<16xi32>], vector<16xf32>,
        %parallel_loop3A_245 = arith.index_cast %parallel_loop3A_234 : i32 to index
        %parallel_loop3A_246 = arith.constant 16 : index
        %parallel_loop3A_247 = tpu.vector_load %arg6[%parallel_loop3A_245, %parallel_loop3A_246] {strides = array<i32>} : memref<128x64xf32, #tpu.memory_space<vmem>>, vector<16xf32>,
        %parallel_loop3A_248 = arith.constant 8.000000e+00 : f32
        %parallel_loop3A_249 = vector.broadcast %parallel_loop3A_248 : f32 to vector<16xf32>
        %parallel_loop3A_250 = arith.mulf %parallel_loop3A_247, %parallel_loop3A_249 : vector<16xf32>
        %parallel_loop3A_251 = arith.constant 16 : i32
        %parallel_loop3A_252 = vector.broadcast %parallel_loop3A_251 : i32 to vector<16xi32>
        %parallel_loop3A_253 = arith.addi %iota3A, %parallel_loop3A_252 : vector<16xi32>
        tpu.vector_store_idx %arg10[%parallel_loop3A_253, %parallel_loop3A_235], %parallel_loop3A_250 : memref<64x129xf32, #tpu.memory_space<vmem>>[vector<16xi32>, vector<16xi32>], vector<16xf32>,
        %parallel_loop3A_254 = arith.index_cast %parallel_loop3A_234 : i32 to index
        %parallel_loop3A_255 = arith.constant 32 : index
        %parallel_loop3A_256 = tpu.vector_load %arg6[%parallel_loop3A_254, %parallel_loop3A_255] {strides = array<i32>} : memref<128x64xf32, #tpu.memory_space<vmem>>, vector<16xf32>,
        %parallel_loop3A_257 = arith.constant 8.000000e+00 : f32
        %parallel_loop3A_258 = vector.broadcast %parallel_loop3A_257 : f32 to vector<16xf32>
        %parallel_loop3A_259 = arith.mulf %parallel_loop3A_256, %parallel_loop3A_258 : vector<16xf32>
        %parallel_loop3A_260 = arith.constant 32 : i32
        %parallel_loop3A_261 = vector.broadcast %parallel_loop3A_260 : i32 to vector<16xi32>
        %parallel_loop3A_262 = arith.addi %iota3A, %parallel_loop3A_261 : vector<16xi32>
        tpu.vector_store_idx %arg10[%parallel_loop3A_262, %parallel_loop3A_235], %parallel_loop3A_259 : memref<64x129xf32, #tpu.memory_space<vmem>>[vector<16xi32>, vector<16xi32>], vector<16xf32>,
        %parallel_loop3A_263 = arith.index_cast %parallel_loop3A_234 : i32 to index
        %parallel_loop3A_264 = arith.constant 48 : index
        %parallel_loop3A_265 = tpu.vector_load %arg6[%parallel_loop3A_263, %parallel_loop3A_264] {strides = array<i32>} : memref<128x64xf32, #tpu.memory_space<vmem>>, vector<16xf32>,
        %parallel_loop3A_266 = arith.constant 8.000000e+00 : f32
        %parallel_loop3A_267 = vector.broadcast %parallel_loop3A_266 : f32 to vector<16xf32>
        %parallel_loop3A_268 = arith.mulf %parallel_loop3A_265, %parallel_loop3A_267 : vector<16xf32>
        %parallel_loop3A_269 = arith.constant 48 : i32
        %parallel_loop3A_270 = vector.broadcast %parallel_loop3A_269 : i32 to vector<16xi32>
        %parallel_loop3A_271 = arith.addi %iota3A, %parallel_loop3A_270 : vector<16xi32>
        tpu.vector_store_idx %arg10[%parallel_loop3A_271, %parallel_loop3A_235], %parallel_loop3A_268 : memref<64x129xf32, #tpu.memory_space<vmem>>[vector<16xi32>, vector<16xi32>], vector<16xf32>,
      } {sc.loop_unroll_factor = 4 : i64, sc.parallel_access}
      %dma_start3A_105 = arith.constant 0 : i32
      %dma_start3A_106 = arith.constant 0 : i32
      %dma_start3A_107 = tpu.memref_slice %arg10[%dma_start3A_105, %dma_start3A_106] : memref<64x129xf32, #tpu.memory_space<vmem>> -> memref<64x128xf32, #tpu.memory_space<vmem>>
      %dma_start3A_108 = arith.constant 0 : i32
      %dma_start3A_109 = tpu.memref_slice %arg4[%add3A_86, %dma_start3A_108, %mul3A_2] : memref<200x64x4096xf32, #tpu.memory_space<hbm>> -> memref<1x64x128xf32, #tpu.memory_space<hbm>>
      %dma_start3A_110 = tpu.memref_squeeze %dma_start3A_109 : memref<1x64x128xf32, #tpu.memory_space<hbm>> -> memref<64x128xf32, #tpu.memory_space<hbm>>
      %dma_start3A_111 = arith.constant 0 : i32
      %dma_start3A_112 = tpu.memref_slice %arg4[%add3A_86, %dma_start3A_111, %mul3A_2] : memref<200x64x4096xf32, #tpu.memory_space<hbm>> -> memref<1x64x128xf32, #tpu.memory_space<hbm>>
      %dma_start3A_113 = tpu.memref_squeeze %dma_start3A_112 : memref<1x64x128xf32, #tpu.memory_space<hbm>> -> memref<64x128xf32, #tpu.memory_space<hbm>>
      %dma_start3A_114 = arith.constant 0 : i32
      %dma_start3A_115 = arith.constant 0 : i32
      %dma_start3A_116 = tpu.memref_slice %arg10[%dma_start3A_114, %dma_start3A_115] : memref<64x129xf32, #tpu.memory_space<vmem>> -> memref<64x128xf32, #tpu.memory_space<vmem>>
      tpu.enqueue_dma source(%dma_start3A_116 : memref<64x128xf32, #tpu.memory_space<vmem>>) target(%dma_start3A_113 : memref<64x128xf32, #tpu.memory_space<hbm>>) target_semaphore(%arg18 : memref<!tpu.dma_semaphore, #tpu.memory_space<semaphore_mem>>)
      %mul3A_117 = arith.constant 4 : i32
      %mul3A_118 = arith.muli %scan3A_82, %mul3A_117 : i32
      %add3A_119 = arith.constant 1 : i32
      %add3A_120 = arith.addi %mul3A_118, %add3A_119 : i32
      %add3A_121 = arith.constant 2 : i32
      %add3A_122 = arith.addi %add3A_120, %add3A_121 : i32
      %lt3A_123 = arith.constant 200 : i32
      %lt3A_124 = arith.cmpi slt, %add3A_122, %lt3A_123 : i32
      %convert_element_type3A_125 = arith.extui %lt3A_124 : i1 to i32
      %cond3A_126 = arith.constant 0 : i32
      %cond3A_127 = arith.cmpi ne, %convert_element_type3A_125, %cond3A_126 : i32
      scf.if %cond3A_127 {
        %add3A_234 = arith.constant 2 : i32
        %add3A_235 = arith.addi %add3A_120, %add3A_234 : i32
        %shift_right_logical3A = arith.constant 3 : i32
        %shift_right_logical3A_236 = arith.shrui %add3A_235, %shift_right_logical3A : i32
        %and3A = arith.constant 7 : i32
        %and3A_237 = arith.andi %add3A_235, %and3A : i32
        %dma_start3A_238 = arith.constant 0 : i32
        %dma_start3A_239 = tpu.memref_slice %arg5[%shift_right_logical3A_236, %and3A_237, %dma_start3A_238] : memref<25x8x128xi32, #tpu.memory_space<vmem>> -> memref<1x1x128xi32, #tpu.memory_space<vmem>>
        %dma_start3A_240 = tpu.memref_squeeze %dma_start3A_239 : memref<1x1x128xi32, #tpu.memory_space<vmem>> -> memref<128xi32, #tpu.memory_space<vmem>>
        %dma_start3A_241 = arith.constant 0 : i32
        %dma_start3A_242 = arith.constant 0 : i32
        %dma_start3A_243 = tpu.memref_slice %arg3[%dma_start3A_241, %dma_start3A_242] : memref<1000000x64xf32, #tpu.memory_space<hbm>> -> memref<1000000x64xf32, #tpu.memory_space<hbm>>
        tpu.enqueue_indirect_dma source(%dma_start3A_243 : memref<1000000x64xf32, #tpu.memory_space<hbm>>) target(%arg9 : memref<128x64xf32, #tpu.memory_space<vmem>>) offsets(%dma_start3A_240 : memref<128xi32, #tpu.memory_space<vmem>>) semaphore(%arg17 : memref<!tpu.dma_semaphore, #tpu.memory_space<semaphore_mem>>)
      } else {
      }
      %dma_wait3A_128 = arith.constant 0 : i32
      %dma_wait3A_129 = arith.constant 0 : i32
      %dma_wait3A_130 = arith.constant 0 : i32
      %dma_wait3A_131 = tpu.memref_slice %arg5[%dma_wait3A_128, %dma_wait3A_129, %dma_wait3A_130] : memref<25x8x128xi32, #tpu.memory_space<vmem>> -> memref<1x1x128xi32, #tpu.memory_space<vmem>>
      %dma_wait3A_132 = tpu.memref_squeeze %dma_wait3A_131 : memref<1x1x128xi32, #tpu.memory_space<vmem>> -> memref<128xi32, #tpu.memory_space<vmem>>
      %dma_wait3A_133 = arith.constant 0 : i32
      %dma_wait3A_134 = arith.constant 0 : i32
      %dma_wait3A_135 = tpu.memref_slice %arg3[%dma_wait3A_133, %dma_wait3A_134] : memref<1000000x64xf32, #tpu.memory_space<hbm>> -> memref<1000000x64xf32, #tpu.memory_space<hbm>>
      tpu.wait_indirect_dma semaphore(%arg15 : memref<!tpu.dma_semaphore, #tpu.memory_space<semaphore_mem>>) src(%dma_wait3A_135 : memref<1000000x64xf32, #tpu.memory_space<hbm>>) dst(%arg7 : memref<128x64xf32, #tpu.memory_space<vmem>>)
      %ge3A_136 = arith.constant 4 : i32
      %ge3A_137 = arith.cmpi sge, %add3A_120, %ge3A_136 : i32
      %convert_element_type3A_138 = arith.extui %ge3A_137 : i1 to i32
      %cond3A_139 = arith.constant 0 : i32
      %cond3A_140 = arith.cmpi ne, %convert_element_type3A_138, %cond3A_139 : i32
      scf.if %cond3A_140 {
        %dma_wait3A_234 = arith.constant 0 : i32
        %dma_wait3A_235 = arith.constant 0 : i32
        %dma_wait3A_236 = arith.constant 0 : i32
        %dma_wait3A_237 = tpu.memref_slice %arg11[%dma_wait3A_235, %dma_wait3A_236] : memref<64x129xf32, #tpu.memory_space<vmem>> -> memref<64x128xf32, #tpu.memory_space<vmem>>
        %dma_wait3A_238 = arith.constant 0 : i32
        %dma_wait3A_239 = arith.constant 0 : i32
        %dma_wait3A_240 = tpu.memref_slice %arg4[%dma_wait3A_234, %dma_wait3A_238, %dma_wait3A_239] : memref<200x64x4096xf32, #tpu.memory_space<hbm>> -> memref<1x64x128xf32, #tpu.memory_space<hbm>>
        %dma_wait3A_241 = tpu.memref_squeeze %dma_wait3A_240 : memref<1x64x128xf32, #tpu.memory_space<hbm>> -> memref<64x128xf32, #tpu.memory_space<hbm>>
        %dma_wait3A_242 = arith.constant 0 : i32
        %dma_wait3A_243 = arith.constant 0 : i32
        %dma_wait3A_244 = tpu.memref_slice %arg4[%dma_wait3A_234, %dma_wait3A_242, %dma_wait3A_243] : memref<200x64x4096xf32, #tpu.memory_space<hbm>> -> memref<1x64x128xf32, #tpu.memory_space<hbm>>
        %dma_wait3A_245 = tpu.memref_squeeze %dma_wait3A_244 : memref<1x64x128xf32, #tpu.memory_space<hbm>> -> memref<64x128xf32, #tpu.memory_space<hbm>>
        %dma_wait3A_246 = arith.constant 0 : i32
        %dma_wait3A_247 = arith.constant 0 : i32
        %dma_wait3A_248 = tpu.memref_slice %arg11[%dma_wait3A_246, %dma_wait3A_247] : memref<64x129xf32, #tpu.memory_space<vmem>> -> memref<64x128xf32, #tpu.memory_space<vmem>>
        tpu.wait_dma2 semaphore(%arg19 : memref<!tpu.dma_semaphore, #tpu.memory_space<semaphore_mem>>) src(%dma_wait3A_248 : memref<64x128xf32, #tpu.memory_space<vmem>>) dst(%dma_wait3A_245 : memref<64x128xf32, #tpu.memory_space<hbm>>)
      } else {
      }
      %parallel_loop3A_141 = arith.constant 0 : i32
      %parallel_loop3A_142 = arith.constant 128 : i32
      %parallel_loop3A_143 = arith.constant 1 : i32
      scf.for %parallel_loop3A_234 = %parallel_loop3A_141 to %parallel_loop3A_142 step %parallel_loop3A_143  : i32 {
        %parallel_loop3A_235 = vector.broadcast %parallel_loop3A_234 : i32 to vector<16xi32>
        %parallel_loop3A_236 = arith.index_cast %parallel_loop3A_234 : i32 to index
        %parallel_loop3A_237 = arith.constant 0 : index
        %parallel_loop3A_238 = tpu.vector_load %arg7[%parallel_loop3A_236, %parallel_loop3A_237] {strides = array<i32>} : memref<128x64xf32, #tpu.memory_space<vmem>>, vector<16xf32>,
        %parallel_loop3A_239 = arith.constant 8.000000e+00 : f32
        %parallel_loop3A_240 = vector.broadcast %parallel_loop3A_239 : f32 to vector<16xf32>
        %parallel_loop3A_241 = arith.mulf %parallel_loop3A_238, %parallel_loop3A_240 : vector<16xf32>
        %parallel_loop3A_242 = arith.constant 0 : i32
        %parallel_loop3A_243 = vector.broadcast %parallel_loop3A_242 : i32 to vector<16xi32>
        %parallel_loop3A_244 = arith.addi %iota3A, %parallel_loop3A_243 : vector<16xi32>
        tpu.vector_store_idx %arg11[%parallel_loop3A_244, %parallel_loop3A_235], %parallel_loop3A_241 : memref<64x129xf32, #tpu.memory_space<vmem>>[vector<16xi32>, vector<16xi32>], vector<16xf32>,
        %parallel_loop3A_245 = arith.index_cast %parallel_loop3A_234 : i32 to index
        %parallel_loop3A_246 = arith.constant 16 : index
        %parallel_loop3A_247 = tpu.vector_load %arg7[%parallel_loop3A_245, %parallel_loop3A_246] {strides = array<i32>} : memref<128x64xf32, #tpu.memory_space<vmem>>, vector<16xf32>,
        %parallel_loop3A_248 = arith.constant 8.000000e+00 : f32
        %parallel_loop3A_249 = vector.broadcast %parallel_loop3A_248 : f32 to vector<16xf32>
        %parallel_loop3A_250 = arith.mulf %parallel_loop3A_247, %parallel_loop3A_249 : vector<16xf32>
        %parallel_loop3A_251 = arith.constant 16 : i32
        %parallel_loop3A_252 = vector.broadcast %parallel_loop3A_251 : i32 to vector<16xi32>
        %parallel_loop3A_253 = arith.addi %iota3A, %parallel_loop3A_252 : vector<16xi32>
        tpu.vector_store_idx %arg11[%parallel_loop3A_253, %parallel_loop3A_235], %parallel_loop3A_250 : memref<64x129xf32, #tpu.memory_space<vmem>>[vector<16xi32>, vector<16xi32>], vector<16xf32>,
        %parallel_loop3A_254 = arith.index_cast %parallel_loop3A_234 : i32 to index
        %parallel_loop3A_255 = arith.constant 32 : index
        %parallel_loop3A_256 = tpu.vector_load %arg7[%parallel_loop3A_254, %parallel_loop3A_255] {strides = array<i32>} : memref<128x64xf32, #tpu.memory_space<vmem>>, vector<16xf32>,
        %parallel_loop3A_257 = arith.constant 8.000000e+00 : f32
        %parallel_loop3A_258 = vector.broadcast %parallel_loop3A_257 : f32 to vector<16xf32>
        %parallel_loop3A_259 = arith.mulf %parallel_loop3A_256, %parallel_loop3A_258 : vector<16xf32>
        %parallel_loop3A_260 = arith.constant 32 : i32
        %parallel_loop3A_261 = vector.broadcast %parallel_loop3A_260 : i32 to vector<16xi32>
        %parallel_loop3A_262 = arith.addi %iota3A, %parallel_loop3A_261 : vector<16xi32>
        tpu.vector_store_idx %arg11[%parallel_loop3A_262, %parallel_loop3A_235], %parallel_loop3A_259 : memref<64x129xf32, #tpu.memory_space<vmem>>[vector<16xi32>, vector<16xi32>], vector<16xf32>,
        %parallel_loop3A_263 = arith.index_cast %parallel_loop3A_234 : i32 to index
        %parallel_loop3A_264 = arith.constant 48 : index
        %parallel_loop3A_265 = tpu.vector_load %arg7[%parallel_loop3A_263, %parallel_loop3A_264] {strides = array<i32>} : memref<128x64xf32, #tpu.memory_space<vmem>>, vector<16xf32>,
        %parallel_loop3A_266 = arith.constant 8.000000e+00 : f32
        %parallel_loop3A_267 = vector.broadcast %parallel_loop3A_266 : f32 to vector<16xf32>
        %parallel_loop3A_268 = arith.mulf %parallel_loop3A_265, %parallel_loop3A_267 : vector<16xf32>
        %parallel_loop3A_269 = arith.constant 48 : i32
        %parallel_loop3A_270 = vector.broadcast %parallel_loop3A_269 : i32 to vector<16xi32>
        %parallel_loop3A_271 = arith.addi %iota3A, %parallel_loop3A_270 : vector<16xi32>
        tpu.vector_store_idx %arg11[%parallel_loop3A_271, %parallel_loop3A_235], %parallel_loop3A_268 : memref<64x129xf32, #tpu.memory_space<vmem>>[vector<16xi32>, vector<16xi32>], vector<16xf32>,
      } {sc.loop_unroll_factor = 4 : i64, sc.parallel_access}
      %dma_start3A_144 = arith.constant 0 : i32
      %dma_start3A_145 = arith.constant 0 : i32
      %dma_start3A_146 = tpu.memref_slice %arg11[%dma_start3A_144, %dma_start3A_145] : memref<64x129xf32, #tpu.memory_space<vmem>> -> memref<64x128xf32, #tpu.memory_space<vmem>>
      %dma_start3A_147 = arith.constant 0 : i32
      %dma_start3A_148 = tpu.memref_slice %arg4[%add3A_120, %dma_start3A_147, %mul3A_2] : memref<200x64x4096xf32, #tpu.memory_space<hbm>> -> memref<1x64x128xf32, #tpu.memory_space<hbm>>
      %dma_start3A_149 = tpu.memref_squeeze %dma_start3A_148 : memref<1x64x128xf32, #tpu.memory_space<hbm>> -> memref<64x128xf32, #tpu.memory_space<hbm>>
      %dma_start3A_150 = arith.constant 0 : i32
      %dma_start3A_151 = tpu.memref_slice %arg4[%add3A_120, %dma_start3A_150, %mul3A_2] : memref<200x64x4096xf32, #tpu.memory_space<hbm>> -> memref<1x64x128xf32, #tpu.memory_space<hbm>>
      %dma_start3A_152 = tpu.memref_squeeze %dma_start3A_151 : memref<1x64x128xf32, #tpu.memory_space<hbm>> -> memref<64x128xf32, #tpu.memory_space<hbm>>
      %dma_start3A_153 = arith.constant 0 : i32
      %dma_start3A_154 = arith.constant 0 : i32
      %dma_start3A_155 = tpu.memref_slice %arg11[%dma_start3A_153, %dma_start3A_154] : memref<64x129xf32, #tpu.memory_space<vmem>> -> memref<64x128xf32, #tpu.memory_space<vmem>>
      tpu.enqueue_dma source(%dma_start3A_155 : memref<64x128xf32, #tpu.memory_space<vmem>>) target(%dma_start3A_152 : memref<64x128xf32, #tpu.memory_space<hbm>>) target_semaphore(%arg19 : memref<!tpu.dma_semaphore, #tpu.memory_space<semaphore_mem>>)
      %mul3A_156 = arith.constant 4 : i32
      %mul3A_157 = arith.muli %scan3A_82, %mul3A_156 : i32
      %add3A_158 = arith.constant 2 : i32
      %add3A_159 = arith.addi %mul3A_157, %add3A_158 : i32
      %add3A_160 = arith.constant 2 : i32
      %add3A_161 = arith.addi %add3A_159, %add3A_160 : i32
      %lt3A_162 = arith.constant 200 : i32
      %lt3A_163 = arith.cmpi slt, %add3A_161, %lt3A_162 : i32
      %convert_element_type3A_164 = arith.extui %lt3A_163 : i1 to i32
      %cond3A_165 = arith.constant 0 : i32
      %cond3A_166 = arith.cmpi ne, %convert_element_type3A_164, %cond3A_165 : i32
      scf.if %cond3A_166 {
        %add3A_234 = arith.constant 2 : i32
        %add3A_235 = arith.addi %add3A_159, %add3A_234 : i32
        %shift_right_logical3A = arith.constant 3 : i32
        %shift_right_logical3A_236 = arith.shrui %add3A_235, %shift_right_logical3A : i32
        %and3A = arith.constant 7 : i32
        %and3A_237 = arith.andi %add3A_235, %and3A : i32
        %dma_start3A_238 = arith.constant 0 : i32
        %dma_start3A_239 = tpu.memref_slice %arg5[%shift_right_logical3A_236, %and3A_237, %dma_start3A_238] : memref<25x8x128xi32, #tpu.memory_space<vmem>> -> memref<1x1x128xi32, #tpu.memory_space<vmem>>
        %dma_start3A_240 = tpu.memref_squeeze %dma_start3A_239 : memref<1x1x128xi32, #tpu.memory_space<vmem>> -> memref<128xi32, #tpu.memory_space<vmem>>
        %dma_start3A_241 = arith.constant 0 : i32
        %dma_start3A_242 = arith.constant 0 : i32
        %dma_start3A_243 = tpu.memref_slice %arg3[%dma_start3A_241, %dma_start3A_242] : memref<1000000x64xf32, #tpu.memory_space<hbm>> -> memref<1000000x64xf32, #tpu.memory_space<hbm>>
        tpu.enqueue_indirect_dma source(%dma_start3A_243 : memref<1000000x64xf32, #tpu.memory_space<hbm>>) target(%arg6 : memref<128x64xf32, #tpu.memory_space<vmem>>) offsets(%dma_start3A_240 : memref<128xi32, #tpu.memory_space<vmem>>) semaphore(%arg14 : memref<!tpu.dma_semaphore, #tpu.memory_space<semaphore_mem>>)
      } else {
      }
      %dma_wait3A_167 = arith.constant 0 : i32
      %dma_wait3A_168 = arith.constant 0 : i32
      %dma_wait3A_169 = arith.constant 0 : i32
      %dma_wait3A_170 = tpu.memref_slice %arg5[%dma_wait3A_167, %dma_wait3A_168, %dma_wait3A_169] : memref<25x8x128xi32, #tpu.memory_space<vmem>> -> memref<1x1x128xi32, #tpu.memory_space<vmem>>
      %dma_wait3A_171 = tpu.memref_squeeze %dma_wait3A_170 : memref<1x1x128xi32, #tpu.memory_space<vmem>> -> memref<128xi32, #tpu.memory_space<vmem>>
      %dma_wait3A_172 = arith.constant 0 : i32
      %dma_wait3A_173 = arith.constant 0 : i32
      %dma_wait3A_174 = tpu.memref_slice %arg3[%dma_wait3A_172, %dma_wait3A_173] : memref<1000000x64xf32, #tpu.memory_space<hbm>> -> memref<1000000x64xf32, #tpu.memory_space<hbm>>
      tpu.wait_indirect_dma semaphore(%arg16 : memref<!tpu.dma_semaphore, #tpu.memory_space<semaphore_mem>>) src(%dma_wait3A_174 : memref<1000000x64xf32, #tpu.memory_space<hbm>>) dst(%arg8 : memref<128x64xf32, #tpu.memory_space<vmem>>)
      %ge3A_175 = arith.constant 4 : i32
      %ge3A_176 = arith.cmpi sge, %add3A_159, %ge3A_175 : i32
      %convert_element_type3A_177 = arith.extui %ge3A_176 : i1 to i32
      %cond3A_178 = arith.constant 0 : i32
      %cond3A_179 = arith.cmpi ne, %convert_element_type3A_177, %cond3A_178 : i32
      scf.if %cond3A_179 {
        %dma_wait3A_234 = arith.constant 0 : i32
        %dma_wait3A_235 = arith.constant 0 : i32
        %dma_wait3A_236 = arith.constant 0 : i32
        %dma_wait3A_237 = tpu.memref_slice %arg12[%dma_wait3A_235, %dma_wait3A_236] : memref<64x129xf32, #tpu.memory_space<vmem>> -> memref<64x128xf32, #tpu.memory_space<vmem>>
        %dma_wait3A_238 = arith.constant 0 : i32
        %dma_wait3A_239 = arith.constant 0 : i32
        %dma_wait3A_240 = tpu.memref_slice %arg4[%dma_wait3A_234, %dma_wait3A_238, %dma_wait3A_239] : memref<200x64x4096xf32, #tpu.memory_space<hbm>> -> memref<1x64x128xf32, #tpu.memory_space<hbm>>
        %dma_wait3A_241 = tpu.memref_squeeze %dma_wait3A_240 : memref<1x64x128xf32, #tpu.memory_space<hbm>> -> memref<64x128xf32, #tpu.memory_space<hbm>>
        %dma_wait3A_242 = arith.constant 0 : i32
        %dma_wait3A_243 = arith.constant 0 : i32
        %dma_wait3A_244 = tpu.memref_slice %arg4[%dma_wait3A_234, %dma_wait3A_242, %dma_wait3A_243] : memref<200x64x4096xf32, #tpu.memory_space<hbm>> -> memref<1x64x128xf32, #tpu.memory_space<hbm>>
        %dma_wait3A_245 = tpu.memref_squeeze %dma_wait3A_244 : memref<1x64x128xf32, #tpu.memory_space<hbm>> -> memref<64x128xf32, #tpu.memory_space<hbm>>
        %dma_wait3A_246 = arith.constant 0 : i32
        %dma_wait3A_247 = arith.constant 0 : i32
        %dma_wait3A_248 = tpu.memref_slice %arg12[%dma_wait3A_246, %dma_wait3A_247] : memref<64x129xf32, #tpu.memory_space<vmem>> -> memref<64x128xf32, #tpu.memory_space<vmem>>
        tpu.wait_dma2 semaphore(%arg20 : memref<!tpu.dma_semaphore, #tpu.memory_space<semaphore_mem>>) src(%dma_wait3A_248 : memref<64x128xf32, #tpu.memory_space<vmem>>) dst(%dma_wait3A_245 : memref<64x128xf32, #tpu.memory_space<hbm>>)
      } else {
      }
      %parallel_loop3A_180 = arith.constant 0 : i32
      %parallel_loop3A_181 = arith.constant 128 : i32
      %parallel_loop3A_182 = arith.constant 1 : i32
      scf.for %parallel_loop3A_234 = %parallel_loop3A_180 to %parallel_loop3A_181 step %parallel_loop3A_182  : i32 {
        %parallel_loop3A_235 = vector.broadcast %parallel_loop3A_234 : i32 to vector<16xi32>
        %parallel_loop3A_236 = arith.index_cast %parallel_loop3A_234 : i32 to index
        %parallel_loop3A_237 = arith.constant 0 : index
        %parallel_loop3A_238 = tpu.vector_load %arg8[%parallel_loop3A_236, %parallel_loop3A_237] {strides = array<i32>} : memref<128x64xf32, #tpu.memory_space<vmem>>, vector<16xf32>,
        %parallel_loop3A_239 = arith.constant 8.000000e+00 : f32
        %parallel_loop3A_240 = vector.broadcast %parallel_loop3A_239 : f32 to vector<16xf32>
        %parallel_loop3A_241 = arith.mulf %parallel_loop3A_238, %parallel_loop3A_240 : vector<16xf32>
        %parallel_loop3A_242 = arith.constant 0 : i32
        %parallel_loop3A_243 = vector.broadcast %parallel_loop3A_242 : i32 to vector<16xi32>
        %parallel_loop3A_244 = arith.addi %iota3A, %parallel_loop3A_243 : vector<16xi32>
        tpu.vector_store_idx %arg12[%parallel_loop3A_244, %parallel_loop3A_235], %parallel_loop3A_241 : memref<64x129xf32, #tpu.memory_space<vmem>>[vector<16xi32>, vector<16xi32>], vector<16xf32>,
        %parallel_loop3A_245 = arith.index_cast %parallel_loop3A_234 : i32 to index
        %parallel_loop3A_246 = arith.constant 16 : index
        %parallel_loop3A_247 = tpu.vector_load %arg8[%parallel_loop3A_245, %parallel_loop3A_246] {strides = array<i32>} : memref<128x64xf32, #tpu.memory_space<vmem>>, vector<16xf32>,
        %parallel_loop3A_248 = arith.constant 8.000000e+00 : f32
        %parallel_loop3A_249 = vector.broadcast %parallel_loop3A_248 : f32 to vector<16xf32>
        %parallel_loop3A_250 = arith.mulf %parallel_loop3A_247, %parallel_loop3A_249 : vector<16xf32>
        %parallel_loop3A_251 = arith.constant 16 : i32
        %parallel_loop3A_252 = vector.broadcast %parallel_loop3A_251 : i32 to vector<16xi32>
        %parallel_loop3A_253 = arith.addi %iota3A, %parallel_loop3A_252 : vector<16xi32>
        tpu.vector_store_idx %arg12[%parallel_loop3A_253, %parallel_loop3A_235], %parallel_loop3A_250 : memref<64x129xf32, #tpu.memory_space<vmem>>[vector<16xi32>, vector<16xi32>], vector<16xf32>,
        %parallel_loop3A_254 = arith.index_cast %parallel_loop3A_234 : i32 to index
        %parallel_loop3A_255 = arith.constant 32 : index
        %parallel_loop3A_256 = tpu.vector_load %arg8[%parallel_loop3A_254, %parallel_loop3A_255] {strides = array<i32>} : memref<128x64xf32, #tpu.memory_space<vmem>>, vector<16xf32>,
        %parallel_loop3A_257 = arith.constant 8.000000e+00 : f32
        %parallel_loop3A_258 = vector.broadcast %parallel_loop3A_257 : f32 to vector<16xf32>
        %parallel_loop3A_259 = arith.mulf %parallel_loop3A_256, %parallel_loop3A_258 : vector<16xf32>
        %parallel_loop3A_260 = arith.constant 32 : i32
        %parallel_loop3A_261 = vector.broadcast %parallel_loop3A_260 : i32 to vector<16xi32>
        %parallel_loop3A_262 = arith.addi %iota3A, %parallel_loop3A_261 : vector<16xi32>
        tpu.vector_store_idx %arg12[%parallel_loop3A_262, %parallel_loop3A_235], %parallel_loop3A_259 : memref<64x129xf32, #tpu.memory_space<vmem>>[vector<16xi32>, vector<16xi32>], vector<16xf32>,
        %parallel_loop3A_263 = arith.index_cast %parallel_loop3A_234 : i32 to index
        %parallel_loop3A_264 = arith.constant 48 : index
        %parallel_loop3A_265 = tpu.vector_load %arg8[%parallel_loop3A_263, %parallel_loop3A_264] {strides = array<i32>} : memref<128x64xf32, #tpu.memory_space<vmem>>, vector<16xf32>,
        %parallel_loop3A_266 = arith.constant 8.000000e+00 : f32
        %parallel_loop3A_267 = vector.broadcast %parallel_loop3A_266 : f32 to vector<16xf32>
        %parallel_loop3A_268 = arith.mulf %parallel_loop3A_265, %parallel_loop3A_267 : vector<16xf32>
        %parallel_loop3A_269 = arith.constant 48 : i32
        %parallel_loop3A_270 = vector.broadcast %parallel_loop3A_269 : i32 to vector<16xi32>
        %parallel_loop3A_271 = arith.addi %iota3A, %parallel_loop3A_270 : vector<16xi32>
        tpu.vector_store_idx %arg12[%parallel_loop3A_271, %parallel_loop3A_235], %parallel_loop3A_268 : memref<64x129xf32, #tpu.memory_space<vmem>>[vector<16xi32>, vector<16xi32>], vector<16xf32>,
      } {sc.loop_unroll_factor = 4 : i64, sc.parallel_access}
      %dma_start3A_183 = arith.constant 0 : i32
      %dma_start3A_184 = arith.constant 0 : i32
      %dma_start3A_185 = tpu.memref_slice %arg12[%dma_start3A_183, %dma_start3A_184] : memref<64x129xf32, #tpu.memory_space<vmem>> -> memref<64x128xf32, #tpu.memory_space<vmem>>
      %dma_start3A_186 = arith.constant 0 : i32
      %dma_start3A_187 = tpu.memref_slice %arg4[%add3A_159, %dma_start3A_186, %mul3A_2] : memref<200x64x4096xf32, #tpu.memory_space<hbm>> -> memref<1x64x128xf32, #tpu.memory_space<hbm>>
      %dma_start3A_188 = tpu.memref_squeeze %dma_start3A_187 : memref<1x64x128xf32, #tpu.memory_space<hbm>> -> memref<64x128xf32, #tpu.memory_space<hbm>>
      %dma_start3A_189 = arith.constant 0 : i32
      %dma_start3A_190 = tpu.memref_slice %arg4[%add3A_159, %dma_start3A_189, %mul3A_2] : memref<200x64x4096xf32, #tpu.memory_space<hbm>> -> memref<1x64x128xf32, #tpu.memory_space<hbm>>
      %dma_start3A_191 = tpu.memref_squeeze %dma_start3A_190 : memref<1x64x128xf32, #tpu.memory_space<hbm>> -> memref<64x128xf32, #tpu.memory_space<hbm>>
      %dma_start3A_192 = arith.constant 0 : i32
      %dma_start3A_193 = arith.constant 0 : i32
      %dma_start3A_194 = tpu.memref_slice %arg12[%dma_start3A_192, %dma_start3A_193] : memref<64x129xf32, #tpu.memory_space<vmem>> -> memref<64x128xf32, #tpu.memory_space<vmem>>
      tpu.enqueue_dma source(%dma_start3A_194 : memref<64x128xf32, #tpu.memory_space<vmem>>) target(%dma_start3A_191 : memref<64x128xf32, #tpu.memory_space<hbm>>) target_semaphore(%arg20 : memref<!tpu.dma_semaphore, #tpu.memory_space<semaphore_mem>>)
      %mul3A_195 = arith.constant 4 : i32
      %mul3A_196 = arith.muli %scan3A_82, %mul3A_195 : i32
      %add3A_197 = arith.constant 3 : i32
      %add3A_198 = arith.addi %mul3A_196, %add3A_197 : i32
      %add3A_199 = arith.constant 2 : i32
      %add3A_200 = arith.addi %add3A_198, %add3A_199 : i32
      %lt3A_201 = arith.constant 200 : i32
      %lt3A_202 = arith.cmpi slt, %add3A_200, %lt3A_201 : i32
      %convert_element_type3A_203 = arith.extui %lt3A_202 : i1 to i32
      %cond3A_204 = arith.constant 0 : i32
      %cond3A_205 = arith.cmpi ne, %convert_element_type3A_203, %cond3A_204 : i32
      scf.if %cond3A_205 {
        %add3A_234 = arith.constant 2 : i32
        %add3A_235 = arith.addi %add3A_198, %add3A_234 : i32
        %shift_right_logical3A = arith.constant 3 : i32
        %shift_right_logical3A_236 = arith.shrui %add3A_235, %shift_right_logical3A : i32
        %and3A = arith.constant 7 : i32
        %and3A_237 = arith.andi %add3A_235, %and3A : i32
        %dma_start3A_238 = arith.constant 0 : i32
        %dma_start3A_239 = tpu.memref_slice %arg5[%shift_right_logical3A_236, %and3A_237, %dma_start3A_238] : memref<25x8x128xi32, #tpu.memory_space<vmem>> -> memref<1x1x128xi32, #tpu.memory_space<vmem>>
        %dma_start3A_240 = tpu.memref_squeeze %dma_start3A_239 : memref<1x1x128xi32, #tpu.memory_space<vmem>> -> memref<128xi32, #tpu.memory_space<vmem>>
        %dma_start3A_241 = arith.constant 0 : i32
        %dma_start3A_242 = arith.constant 0 : i32
        %dma_start3A_243 = tpu.memref_slice %arg3[%dma_start3A_241, %dma_start3A_242] : memref<1000000x64xf32, #tpu.memory_space<hbm>> -> memref<1000000x64xf32, #tpu.memory_space<hbm>>
        tpu.enqueue_indirect_dma source(%dma_start3A_243 : memref<1000000x64xf32, #tpu.memory_space<hbm>>) target(%arg7 : memref<128x64xf32, #tpu.memory_space<vmem>>) offsets(%dma_start3A_240 : memref<128xi32, #tpu.memory_space<vmem>>) semaphore(%arg15 : memref<!tpu.dma_semaphore, #tpu.memory_space<semaphore_mem>>)
      } else {
      }
      %dma_wait3A_206 = arith.constant 0 : i32
      %dma_wait3A_207 = arith.constant 0 : i32
      %dma_wait3A_208 = arith.constant 0 : i32
      %dma_wait3A_209 = tpu.memref_slice %arg5[%dma_wait3A_206, %dma_wait3A_207, %dma_wait3A_208] : memref<25x8x128xi32, #tpu.memory_space<vmem>> -> memref<1x1x128xi32, #tpu.memory_space<vmem>>
      %dma_wait3A_210 = tpu.memref_squeeze %dma_wait3A_209 : memref<1x1x128xi32, #tpu.memory_space<vmem>> -> memref<128xi32, #tpu.memory_space<vmem>>
      %dma_wait3A_211 = arith.constant 0 : i32
      %dma_wait3A_212 = arith.constant 0 : i32
      %dma_wait3A_213 = tpu.memref_slice %arg3[%dma_wait3A_211, %dma_wait3A_212] : memref<1000000x64xf32, #tpu.memory_space<hbm>> -> memref<1000000x64xf32, #tpu.memory_space<hbm>>
      tpu.wait_indirect_dma semaphore(%arg17 : memref<!tpu.dma_semaphore, #tpu.memory_space<semaphore_mem>>) src(%dma_wait3A_213 : memref<1000000x64xf32, #tpu.memory_space<hbm>>) dst(%arg9 : memref<128x64xf32, #tpu.memory_space<vmem>>)
      %ge3A_214 = arith.constant 4 : i32
      %ge3A_215 = arith.cmpi sge, %add3A_198, %ge3A_214 : i32
      %convert_element_type3A_216 = arith.extui %ge3A_215 : i1 to i32
      %cond3A_217 = arith.constant 0 : i32
      %cond3A_218 = arith.cmpi ne, %convert_element_type3A_216, %cond3A_217 : i32
      scf.if %cond3A_218 {
        %dma_wait3A_234 = arith.constant 0 : i32
        %dma_wait3A_235 = arith.constant 0 : i32
        %dma_wait3A_236 = arith.constant 0 : i32
        %dma_wait3A_237 = tpu.memref_slice %arg13[%dma_wait3A_235, %dma_wait3A_236] : memref<64x129xf32, #tpu.memory_space<vmem>> -> memref<64x128xf32, #tpu.memory_space<vmem>>
        %dma_wait3A_238 = arith.constant 0 : i32
        %dma_wait3A_239 = arith.constant 0 : i32
        %dma_wait3A_240 = tpu.memref_slice %arg4[%dma_wait3A_234, %dma_wait3A_238, %dma_wait3A_239] : memref<200x64x4096xf32, #tpu.memory_space<hbm>> -> memref<1x64x128xf32, #tpu.memory_space<hbm>>
        %dma_wait3A_241 = tpu.memref_squeeze %dma_wait3A_240 : memref<1x64x128xf32, #tpu.memory_space<hbm>> -> memref<64x128xf32, #tpu.memory_space<hbm>>
        %dma_wait3A_242 = arith.constant 0 : i32
        %dma_wait3A_243 = arith.constant 0 : i32
        %dma_wait3A_244 = tpu.memref_slice %arg4[%dma_wait3A_234, %dma_wait3A_242, %dma_wait3A_243] : memref<200x64x4096xf32, #tpu.memory_space<hbm>> -> memref<1x64x128xf32, #tpu.memory_space<hbm>>
        %dma_wait3A_245 = tpu.memref_squeeze %dma_wait3A_244 : memref<1x64x128xf32, #tpu.memory_space<hbm>> -> memref<64x128xf32, #tpu.memory_space<hbm>>
        %dma_wait3A_246 = arith.constant 0 : i32
        %dma_wait3A_247 = arith.constant 0 : i32
        %dma_wait3A_248 = tpu.memref_slice %arg13[%dma_wait3A_246, %dma_wait3A_247] : memref<64x129xf32, #tpu.memory_space<vmem>> -> memref<64x128xf32, #tpu.memory_space<vmem>>
        tpu.wait_dma2 semaphore(%arg21 : memref<!tpu.dma_semaphore, #tpu.memory_space<semaphore_mem>>) src(%dma_wait3A_248 : memref<64x128xf32, #tpu.memory_space<vmem>>) dst(%dma_wait3A_245 : memref<64x128xf32, #tpu.memory_space<hbm>>)
      } else {
      }
      %parallel_loop3A_219 = arith.constant 0 : i32
      %parallel_loop3A_220 = arith.constant 128 : i32
      %parallel_loop3A_221 = arith.constant 1 : i32
      scf.for %parallel_loop3A_234 = %parallel_loop3A_219 to %parallel_loop3A_220 step %parallel_loop3A_221  : i32 {
        %parallel_loop3A_235 = vector.broadcast %parallel_loop3A_234 : i32 to vector<16xi32>
        %parallel_loop3A_236 = arith.index_cast %parallel_loop3A_234 : i32 to index
        %parallel_loop3A_237 = arith.constant 0 : index
        %parallel_loop3A_238 = tpu.vector_load %arg9[%parallel_loop3A_236, %parallel_loop3A_237] {strides = array<i32>} : memref<128x64xf32, #tpu.memory_space<vmem>>, vector<16xf32>,
        %parallel_loop3A_239 = arith.constant 8.000000e+00 : f32
        %parallel_loop3A_240 = vector.broadcast %parallel_loop3A_239 : f32 to vector<16xf32>
        %parallel_loop3A_241 = arith.mulf %parallel_loop3A_238, %parallel_loop3A_240 : vector<16xf32>
        %parallel_loop3A_242 = arith.constant 0 : i32
        %parallel_loop3A_243 = vector.broadcast %parallel_loop3A_242 : i32 to vector<16xi32>
        %parallel_loop3A_244 = arith.addi %iota3A, %parallel_loop3A_243 : vector<16xi32>
        tpu.vector_store_idx %arg13[%parallel_loop3A_244, %parallel_loop3A_235], %parallel_loop3A_241 : memref<64x129xf32, #tpu.memory_space<vmem>>[vector<16xi32>, vector<16xi32>], vector<16xf32>,
        %parallel_loop3A_245 = arith.index_cast %parallel_loop3A_234 : i32 to index
        %parallel_loop3A_246 = arith.constant 16 : index
        %parallel_loop3A_247 = tpu.vector_load %arg9[%parallel_loop3A_245, %parallel_loop3A_246] {strides = array<i32>} : memref<128x64xf32, #tpu.memory_space<vmem>>, vector<16xf32>,
        %parallel_loop3A_248 = arith.constant 8.000000e+00 : f32
        %parallel_loop3A_249 = vector.broadcast %parallel_loop3A_248 : f32 to vector<16xf32>
        %parallel_loop3A_250 = arith.mulf %parallel_loop3A_247, %parallel_loop3A_249 : vector<16xf32>
        %parallel_loop3A_251 = arith.constant 16 : i32
        %parallel_loop3A_252 = vector.broadcast %parallel_loop3A_251 : i32 to vector<16xi32>
        %parallel_loop3A_253 = arith.addi %iota3A, %parallel_loop3A_252 : vector<16xi32>
        tpu.vector_store_idx %arg13[%parallel_loop3A_253, %parallel_loop3A_235], %parallel_loop3A_250 : memref<64x129xf32, #tpu.memory_space<vmem>>[vector<16xi32>, vector<16xi32>], vector<16xf32>,
        %parallel_loop3A_254 = arith.index_cast %parallel_loop3A_234 : i32 to index
        %parallel_loop3A_255 = arith.constant 32 : index
        %parallel_loop3A_256 = tpu.vector_load %arg9[%parallel_loop3A_254, %parallel_loop3A_255] {strides = array<i32>} : memref<128x64xf32, #tpu.memory_space<vmem>>, vector<16xf32>,
        %parallel_loop3A_257 = arith.constant 8.000000e+00 : f32
        %parallel_loop3A_258 = vector.broadcast %parallel_loop3A_257 : f32 to vector<16xf32>
        %parallel_loop3A_259 = arith.mulf %parallel_loop3A_256, %parallel_loop3A_258 : vector<16xf32>
        %parallel_loop3A_260 = arith.constant 32 : i32
        %parallel_loop3A_261 = vector.broadcast %parallel_loop3A_260 : i32 to vector<16xi32>
        %parallel_loop3A_262 = arith.addi %iota3A, %parallel_loop3A_261 : vector<16xi32>
        tpu.vector_store_idx %arg13[%parallel_loop3A_262, %parallel_loop3A_235], %parallel_loop3A_259 : memref<64x129xf32, #tpu.memory_space<vmem>>[vector<16xi32>, vector<16xi32>], vector<16xf32>,
        %parallel_loop3A_263 = arith.index_cast %parallel_loop3A_234 : i32 to index
        %parallel_loop3A_264 = arith.constant 48 : index
        %parallel_loop3A_265 = tpu.vector_load %arg9[%parallel_loop3A_263, %parallel_loop3A_264] {strides = array<i32>} : memref<128x64xf32, #tpu.memory_space<vmem>>, vector<16xf32>,
        %parallel_loop3A_266 = arith.constant 8.000000e+00 : f32
        %parallel_loop3A_267 = vector.broadcast %parallel_loop3A_266 : f32 to vector<16xf32>
        %parallel_loop3A_268 = arith.mulf %parallel_loop3A_265, %parallel_loop3A_267 : vector<16xf32>
        %parallel_loop3A_269 = arith.constant 48 : i32
        %parallel_loop3A_270 = vector.broadcast %parallel_loop3A_269 : i32 to vector<16xi32>
        %parallel_loop3A_271 = arith.addi %iota3A, %parallel_loop3A_270 : vector<16xi32>
        tpu.vector_store_idx %arg13[%parallel_loop3A_271, %parallel_loop3A_235], %parallel_loop3A_268 : memref<64x129xf32, #tpu.memory_space<vmem>>[vector<16xi32>, vector<16xi32>], vector<16xf32>,
      } {sc.loop_unroll_factor = 4 : i64, sc.parallel_access}
      %dma_start3A_222 = arith.constant 0 : i32
      %dma_start3A_223 = arith.constant 0 : i32
      %dma_start3A_224 = tpu.memref_slice %arg13[%dma_start3A_222, %dma_start3A_223] : memref<64x129xf32, #tpu.memory_space<vmem>> -> memref<64x128xf32, #tpu.memory_space<vmem>>
      %dma_start3A_225 = arith.constant 0 : i32
      %dma_start3A_226 = tpu.memref_slice %arg4[%add3A_198, %dma_start3A_225, %mul3A_2] : memref<200x64x4096xf32, #tpu.memory_space<hbm>> -> memref<1x64x128xf32, #tpu.memory_space<hbm>>
      %dma_start3A_227 = tpu.memref_squeeze %dma_start3A_226 : memref<1x64x128xf32, #tpu.memory_space<hbm>> -> memref<64x128xf32, #tpu.memory_space<hbm>>
      %dma_start3A_228 = arith.constant 0 : i32
      %dma_start3A_229 = tpu.memref_slice %arg4[%add3A_198, %dma_start3A_228, %mul3A_2] : memref<200x64x4096xf32, #tpu.memory_space<hbm>> -> memref<1x64x128xf32, #tpu.memory_space<hbm>>
      %dma_start3A_230 = tpu.memref_squeeze %dma_start3A_229 : memref<1x64x128xf32, #tpu.memory_space<hbm>> -> memref<64x128xf32, #tpu.memory_space<hbm>>
      %dma_start3A_231 = arith.constant 0 : i32
      %dma_start3A_232 = arith.constant 0 : i32
      %dma_start3A_233 = tpu.memref_slice %arg13[%dma_start3A_231, %dma_start3A_232] : memref<64x129xf32, #tpu.memory_space<vmem>> -> memref<64x128xf32, #tpu.memory_space<vmem>>
      tpu.enqueue_dma source(%dma_start3A_233 : memref<64x128xf32, #tpu.memory_space<vmem>>) target(%dma_start3A_230 : memref<64x128xf32, #tpu.memory_space<hbm>>) target_semaphore(%arg21 : memref<!tpu.dma_semaphore, #tpu.memory_space<semaphore_mem>>)
    }
    %scan3A_22 = arith.constant 50 : i32
    %dma_wait3A = arith.constant 0 : i32
    %dma_wait3A_23 = arith.constant 0 : i32
    %dma_wait3A_24 = arith.constant 0 : i32
    %dma_wait3A_25 = tpu.memref_slice %arg10[%dma_wait3A_23, %dma_wait3A_24] : memref<64x129xf32, #tpu.memory_space<vmem>> -> memref<64x128xf32, #tpu.memory_space<vmem>>
    %dma_wait3A_26 = arith.constant 0 : i32
    %dma_wait3A_27 = arith.constant 0 : i32
    %dma_wait3A_28 = tpu.memref_slice %arg4[%dma_wait3A, %dma_wait3A_26, %dma_wait3A_27] : memref<200x64x4096xf32, #tpu.memory_space<hbm>> -> memref<1x64x128xf32, #tpu.memory_space<hbm>>
    %dma_wait3A_29 = tpu.memref_squeeze %dma_wait3A_28 : memref<1x64x128xf32, #tpu.memory_space<hbm>> -> memref<64x128xf32, #tpu.memory_space<hbm>>
    %dma_wait3A_30 = arith.constant 0 : i32
    %dma_wait3A_31 = arith.constant 0 : i32
    %dma_wait3A_32 = tpu.memref_slice %arg4[%dma_wait3A, %dma_wait3A_30, %dma_wait3A_31] : memref<200x64x4096xf32, #tpu.memory_space<hbm>> -> memref<1x64x128xf32, #tpu.memory_space<hbm>>
    %dma_wait3A_33 = tpu.memref_squeeze %dma_wait3A_32 : memref<1x64x128xf32, #tpu.memory_space<hbm>> -> memref<64x128xf32, #tpu.memory_space<hbm>>
    %dma_wait3A_34 = arith.constant 0 : i32
    %dma_wait3A_35 = arith.constant 0 : i32
    %dma_wait3A_36 = tpu.memref_slice %arg10[%dma_wait3A_34, %dma_wait3A_35] : memref<64x129xf32, #tpu.memory_space<vmem>> -> memref<64x128xf32, #tpu.memory_space<vmem>>
    tpu.wait_dma2 semaphore(%arg18 : memref<!tpu.dma_semaphore, #tpu.memory_space<semaphore_mem>>) src(%dma_wait3A_36 : memref<64x128xf32, #tpu.memory_space<vmem>>) dst(%dma_wait3A_33 : memref<64x128xf32, #tpu.memory_space<hbm>>)
    %dma_wait3A_37 = arith.constant 0 : i32
    %dma_wait3A_38 = arith.constant 0 : i32
    %dma_wait3A_39 = arith.constant 0 : i32
    %dma_wait3A_40 = tpu.memref_slice %arg11[%dma_wait3A_38, %dma_wait3A_39] : memref<64x129xf32, #tpu.memory_space<vmem>> -> memref<64x128xf32, #tpu.memory_space<vmem>>
    %dma_wait3A_41 = arith.constant 0 : i32
    %dma_wait3A_42 = arith.constant 0 : i32
    %dma_wait3A_43 = tpu.memref_slice %arg4[%dma_wait3A_37, %dma_wait3A_41, %dma_wait3A_42] : memref<200x64x4096xf32, #tpu.memory_space<hbm>> -> memref<1x64x128xf32, #tpu.memory_space<hbm>>
    %dma_wait3A_44 = tpu.memref_squeeze %dma_wait3A_43 : memref<1x64x128xf32, #tpu.memory_space<hbm>> -> memref<64x128xf32, #tpu.memory_space<hbm>>
    %dma_wait3A_45 = arith.constant 0 : i32
    %dma_wait3A_46 = arith.constant 0 : i32
    %dma_wait3A_47 = tpu.memref_slice %arg4[%dma_wait3A_37, %dma_wait3A_45, %dma_wait3A_46] : memref<200x64x4096xf32, #tpu.memory_space<hbm>> -> memref<1x64x128xf32, #tpu.memory_space<hbm>>
    %dma_wait3A_48 = tpu.memref_squeeze %dma_wait3A_47 : memref<1x64x128xf32, #tpu.memory_space<hbm>> -> memref<64x128xf32, #tpu.memory_space<hbm>>
    %dma_wait3A_49 = arith.constant 0 : i32
    %dma_wait3A_50 = arith.constant 0 : i32
    %dma_wait3A_51 = tpu.memref_slice %arg11[%dma_wait3A_49, %dma_wait3A_50] : memref<64x129xf32, #tpu.memory_space<vmem>> -> memref<64x128xf32, #tpu.memory_space<vmem>>
    tpu.wait_dma2 semaphore(%arg19 : memref<!tpu.dma_semaphore, #tpu.memory_space<semaphore_mem>>) src(%dma_wait3A_51 : memref<64x128xf32, #tpu.memory_space<vmem>>) dst(%dma_wait3A_48 : memref<64x128xf32, #tpu.memory_space<hbm>>)
    %dma_wait3A_52 = arith.constant 0 : i32
    %dma_wait3A_53 = arith.constant 0 : i32
    %dma_wait3A_54 = arith.constant 0 : i32
    %dma_wait3A_55 = tpu.memref_slice %arg12[%dma_wait3A_53, %dma_wait3A_54] : memref<64x129xf32, #tpu.memory_space<vmem>> -> memref<64x128xf32, #tpu.memory_space<vmem>>
    %dma_wait3A_56 = arith.constant 0 : i32
    %dma_wait3A_57 = arith.constant 0 : i32
    %dma_wait3A_58 = tpu.memref_slice %arg4[%dma_wait3A_52, %dma_wait3A_56, %dma_wait3A_57] : memref<200x64x4096xf32, #tpu.memory_space<hbm>> -> memref<1x64x128xf32, #tpu.memory_space<hbm>>
    %dma_wait3A_59 = tpu.memref_squeeze %dma_wait3A_58 : memref<1x64x128xf32, #tpu.memory_space<hbm>> -> memref<64x128xf32, #tpu.memory_space<hbm>>
    %dma_wait3A_60 = arith.constant 0 : i32
    %dma_wait3A_61 = arith.constant 0 : i32
    %dma_wait3A_62 = tpu.memref_slice %arg4[%dma_wait3A_52, %dma_wait3A_60, %dma_wait3A_61] : memref<200x64x4096xf32, #tpu.memory_space<hbm>> -> memref<1x64x128xf32, #tpu.memory_space<hbm>>
    %dma_wait3A_63 = tpu.memref_squeeze %dma_wait3A_62 : memref<1x64x128xf32, #tpu.memory_space<hbm>> -> memref<64x128xf32, #tpu.memory_space<hbm>>
    %dma_wait3A_64 = arith.constant 0 : i32
    %dma_wait3A_65 = arith.constant 0 : i32
    %dma_wait3A_66 = tpu.memref_slice %arg12[%dma_wait3A_64, %dma_wait3A_65] : memref<64x129xf32, #tpu.memory_space<vmem>> -> memref<64x128xf32, #tpu.memory_space<vmem>>
    tpu.wait_dma2 semaphore(%arg20 : memref<!tpu.dma_semaphore, #tpu.memory_space<semaphore_mem>>) src(%dma_wait3A_66 : memref<64x128xf32, #tpu.memory_space<vmem>>) dst(%dma_wait3A_63 : memref<64x128xf32, #tpu.memory_space<hbm>>)
    %dma_wait3A_67 = arith.constant 0 : i32
    %dma_wait3A_68 = arith.constant 0 : i32
    %dma_wait3A_69 = arith.constant 0 : i32
    %dma_wait3A_70 = tpu.memref_slice %arg13[%dma_wait3A_68, %dma_wait3A_69] : memref<64x129xf32, #tpu.memory_space<vmem>> -> memref<64x128xf32, #tpu.memory_space<vmem>>
    %dma_wait3A_71 = arith.constant 0 : i32
    %dma_wait3A_72 = arith.constant 0 : i32
    %dma_wait3A_73 = tpu.memref_slice %arg4[%dma_wait3A_67, %dma_wait3A_71, %dma_wait3A_72] : memref<200x64x4096xf32, #tpu.memory_space<hbm>> -> memref<1x64x128xf32, #tpu.memory_space<hbm>>
    %dma_wait3A_74 = tpu.memref_squeeze %dma_wait3A_73 : memref<1x64x128xf32, #tpu.memory_space<hbm>> -> memref<64x128xf32, #tpu.memory_space<hbm>>
    %dma_wait3A_75 = arith.constant 0 : i32
    %dma_wait3A_76 = arith.constant 0 : i32
    %dma_wait3A_77 = tpu.memref_slice %arg4[%dma_wait3A_67, %dma_wait3A_75, %dma_wait3A_76] : memref<200x64x4096xf32, #tpu.memory_space<hbm>> -> memref<1x64x128xf32, #tpu.memory_space<hbm>>
    %dma_wait3A_78 = tpu.memref_squeeze %dma_wait3A_77 : memref<1x64x128xf32, #tpu.memory_space<hbm>> -> memref<64x128xf32, #tpu.memory_space<hbm>>
    %dma_wait3A_79 = arith.constant 0 : i32
    %dma_wait3A_80 = arith.constant 0 : i32
    %dma_wait3A_81 = tpu.memref_slice %arg13[%dma_wait3A_79, %dma_wait3A_80] : memref<64x129xf32, #tpu.memory_space<vmem>> -> memref<64x128xf32, #tpu.memory_space<vmem>>
    tpu.wait_dma2 semaphore(%arg21 : memref<!tpu.dma_semaphore, #tpu.memory_space<semaphore_mem>>) src(%dma_wait3A_81 : memref<64x128xf32, #tpu.memory_space<vmem>>) dst(%dma_wait3A_78 : memref<64x128xf32, #tpu.memory_space<hbm>>)
    return
  }
}

</mosaic_0001>

<sc_bundles>
// kernel: kernel.3.cloned.1.call-start
scs
__scs_entry_jumppad:
0x0: {  	(pc) =	sbr.rel $0x88, $3  }
0x1: {  	(tag) =	ssettag $0x0;
	lr =	simm.s32 $0x1  }
0x2: {  	[smem:$0x3F9F] =	sst lr;
	_ =	strace $0xD0000000  }
0x3: {  	_ = 	snop  }
0x4: {  	_ = 	snop  }
0x5: {  	_ = 	snop  }
0x6: {  	_ = 	snop  }
0x7: {  	_ = 	snop  }
__scs_overlays_trampoline_lowered:
0x8: {  	[smem:$0x3FAE] =	sst s0  }
0x9: {  	[smem:$0x3FAF] =	sst s1  }
0xa: {  	[smem:$0x3FB0] =	sst s2  }
0xb: {  	[smem:$0x3FB1] =	sst s3  }
0xc: {  	[smem:$0x3FB2] =	sst s4  }
0xd: {  	[smem:$0x3FB3] =	sst s5  }
0xe: {  	[smem:$0x3FB4] =	sst s6  }
0xf: {  	[smem:$0x3FB5] =	sst s7  }
0x10: {  	[smem:$0x3FB6] =	sst s8  }
0x11: {  	[smem:$0x3FB7] =	sst s9;
	s0 =	simm.s32 @!p0 $0x0  }
0x12: {  	s1 =	sld [smem:$0x3F9D];
	s0 =	simm.s32 @p0 $0x1  }
0x13: {  	[smem:$0x3FB8] =	sst s0;
	s0 =	simm.s32 @!p1 $0x0  }
0x14: {  	s2 =	sld [smem:$0x3F9C];
	s0 =	simm.s32 @p1 $0x1  }
0x15: {  	[smem:$0x3FB9] =	sst s0;
	s0 =	simm.s32 @!p2 $0x0  }
0x16: {  	s3 =	sld [smem:$0x3FDB];
	s0 =	simm.s32 @p2 $0x1  }
0x17: {  	s4 =	simm.s32 $0x1BF5;
	[smem:$0x3FBB] =	sst s0  }
0x18: {  	s0 =	sld [smem:$0x3F9E];
	_ =	swait.ge [sflag:s4], $0x0  }
0x19: {  	s7 =	sld [smem:$0x3F9F]  }
0x1a: {  	s8 =	sadd.s32 $0xFFFFE003, lr  }
0x1b: {  	s9 =	sadd.s32 $0xFFFFFEF7, lr;
	s5 =	simm.s32 $0xFFFFFFFF;
	p2 =	slt.u32 s8, $0xFFFFF086  }
0x1c: {  	p1 =	slt.u32 s9, $0xF7A;
	s5 =	simm.s32 @!p2 $0x0  }
0x1d: {  	s5 =	simm.s32 @p1 $0x1;
	p0 =	seq.s32 s7, s2  }
0x1e: {  	s7 =	smul.u32 @!p0 $0xF7A, s2;
	p2 =	seq.s32 @!p0 s5, $0x0  }
0x1f: {  	s9 =	smul.u32 $0xF7A, s1;
	s8 =	simm.s32 @!p0 $0x1BF5;
	p2 =	por !p2, p0  }
0x20: {  	[sflag:s8] =	ssyncset.s32 @!p0 $0xFFFFF086;
	s6 =	sadd.s32 @!p0 s3, s7;
	s7 =	simm.s32 @!p0 $0x108  }
0x21: {  	s3 =	sadd.s32 s3, s9;
	s6 =	sadd.s32 @!p0 $0x88, s6;
	s7 =	simm.s32 @p2 $0x1082  }
0x22: {  	[simem:s7], [sflag:s8] =	dma.local @!p0 [hbm:s6], $0xF7A  }
0x23: {  	s9 =	sor.u32 $0xD0000000, s2;
	s6 =	simm.s32 $0x108;
	_ =	swait.ge @!p0 [sflag:s8], $0x0  }
0x24: {  	s3 =	sadd.s32 $0x88, s3;
	s6 =	simm.s32 @!p1 $0x1082;
	[sflag:s4] =	ssyncset.s32 $0xFFFFF086  }
0x25: {  	[simem:s6], [sflag:s4] =	dma.local [hbm:s3], $0xF7A  }
0x26: {  	[smem:$0x3F9F] =	sst s1;
	(tag) =	ssettag s2;
	_ =	strace s9  }
0x27: {  	s1 =	sld [smem:$0x3FAF]  }
0x28: {  	s2 =	sld [smem:$0x3FB0]  }
0x29: {  	s4 =	sld [smem:$0x3FB2]  }
0x2a: {  	p0 =	seq.s32 s5, $0x0;
	s5 =	sld [smem:$0x3FB3]  }
0x2b: {  	s6 =	sld [smem:$0x3FB4]  }
0x2c: {  	s7 =	sld [smem:$0x3FB5]  }
0x2d: {  	s3 =	simm.s32 $0x108;
	s8 =	sld [smem:$0x3FB6]  }
0x2e: {  	s3 =	simm.s32 @!p0 $0x1082;
	s9 =	sld [smem:$0x3FB7]  }
0x2f: {  	lr =	sadd.s32 s0, s3;
	s0 =	sld [smem:$0x3FAE]  }
0x30: {  	s3 =	sld [smem:$0x3FB1]  }
0x31: {  	[smem:$0x3FBA] =	sst s10  }
0x32: {  	s10 =	sld [smem:$0x3FB8];
	_ =	sdelay $0x3  }
0x33: {  	p0 =	seq.s32 s10, $0x1;
	s10 =	sld [smem:$0x3FBA];
	_ =	sdelay $0x3  }
0x34: {  	[smem:$0x3FBA] =	sst s10  }
0x35: {  	s10 =	sld [smem:$0x3FB9];
	_ =	sdelay $0x3  }
0x36: {  	p1 =	seq.s32 s10, $0x1;
	s10 =	sld [smem:$0x3FBA];
	_ =	sdelay $0x3  }
0x37: {  	[smem:$0x3FBA] =	sst s10  }
0x38: {  	s10 =	sld [smem:$0x3FBB]  }
0x39: {  	_ = 	snop;
	(pc) =	sbr.ind lr, $3  }
0x3a: {  	_ = 	snop  }
0x3b: {  	_ = 	snop  }
0x3c: {  	p2 =	seq.s32 s10, $0x1;
	s10 =	sld [smem:$0x3FBA]  }
0x3d: {  	_ =	shalt  }
0x3e: {  	_ =	shalt  }
0x3f: {  	_ =	shalt  }
0x40: {  	_ =	shalt  }
0x41: {  	_ =	shalt  }
0x42: {  	_ =	shalt  }
0x43: {  	_ =	shalt  }
0x44: {  	_ =	shalt  }
0x45: {  	_ =	shalt  }
0x46: {  	_ =	shalt  }
0x47: {  	_ =	shalt  }
0x48: {  	_ =	shalt  }
0x49: {  	_ =	shalt  }
0x4a: {  	_ =	shalt  }
0x4b: {  	_ =	shalt  }
0x4c: {  	_ =	shalt  }
0x4d: {  	_ =	shalt  }
0x4e: {  	_ =	shalt  }
0x4f: {  	_ =	shalt  }
0x50: {  	_ =	shalt  }
0x51: {  	_ =	shalt  }
0x52: {  	_ =	shalt  }
0x53: {  	_ =	shalt  }
0x54: {  	_ =	shalt  }
0x55: {  	_ =	shalt  }
0x56: {  	_ =	shalt  }
0x57: {  	_ =	shalt  }
0x58: {  	_ =	shalt  }
0x59: {  	_ =	shalt  }
0x5a: {  	_ =	shalt  }
0x5b: {  	_ =	shalt  }
0x5c: {  	_ =	shalt  }
0x5d: {  	_ =	shalt  }
0x5e: {  	_ =	shalt  }
0x5f: {  	_ =	shalt  }
0x60: {  	_ =	shalt  }
0x61: {  	_ =	shalt  }
0x62: {  	_ =	shalt  }
0x63: {  	_ =	shalt  }
0x64: {  	_ =	shalt  }
0x65: {  	_ =	shalt  }
0x66: {  	_ =	shalt  }
0x67: {  	_ =	shalt  }
0x68: {  	_ =	shalt  }
0x69: {  	_ =	shalt  }
0x6a: {  	_ =	shalt  }
0x6b: {  	_ =	shalt  }
0x6c: {  	_ =	shalt  }
0x6d: {  	_ =	shalt  }
0x6e: {  	_ =	shalt  }
0x6f: {  	_ =	shalt  }
0x70: {  	_ =	shalt  }
0x71: {  	_ =	shalt  }
0x72: {  	_ =	shalt  }
0x73: {  	_ =	shalt  }
0x74: {  	_ =	shalt  }
0x75: {  	_ =	shalt  }
0x76: {  	_ =	shalt  }
0x77: {  	_ =	shalt  }
0x78: {  	_ =	shalt  }
0x79: {  	_ =	shalt  }
0x7a: {  	_ =	shalt  }
0x7b: {  	_ =	shalt  }
0x7c: {  	_ =	shalt  }
0x7d: {  	_ =	shalt  }
0x7e: {  	_ =	shalt  }
0x7f: {  	_ =	shalt  }
0x80: {  	_ =	shalt  }
0x81: {  	_ =	shalt  }
0x82: {  	_ =	shalt  }
0x83: {  	_ =	shalt  }
0x84: {  	_ =	shalt  }
0x85: {  	_ =	shalt  }
0x86: {  	_ =	shalt  }
0x87: {  	_ =	shalt  }
.Lfunc_end0:
.L_simem_size_0:
called_computation_lowered:
.L_overlay_start_0:
0x88: {  	s2 =	sld [smem:$0x3FD9]  }
0x89: {  	s3 =	sld [smem:$0x3FFE];
	_ =	sdelay $0x1  }
0x8a: {  	s1 =	srdreg.scid  }
0x8b: {  	s0 =	sand.u32 $0x1, s1  }
0x8c: {  	s17 =	sshll.u32 s0, $0xA;
	s2 =	sadd.s32 s3, s2  }
0x8d: {  	s2 =	sadd.s32 s2, s17  }
0x8e: {  	[smem:$0x3FC6] =	sst s2  }
0x8f: {  	_ = 	snop  }
0x90: {  	s2 =	sld [smem:$0x3FC9];
	(tm) =	ssettm $0x1  }
0x91: {  	s18 =	sld [smem:$0x3FFB];
	_ =	sdelay $0x3  }
0x92: {  	_ =	strace s18  }
0x93: {  	s3 =	sld [smem:$0x3FFC];
	_ =	sdelay $0x3  }
0x94: {  	_ =	strace s3  }
0x95: {  	s3 =	sld [smem:$0x3FFD];
	_ =	sdelay $0x3  }
0x96: {  	_ =	strace s3  }
0x97: {  	_ =	strace $0x8FFFFFFF  }
0x98: {  	s19 =	sld [smem:$0x3FDB];
	_ =	sdelay $0x1  }
0x99: {  	s4 =	simm.s32 $_scs_section_size  }
0x9a: {  	s5 =	simm.s32 $_size__tile_overlayer_lowered;
	s6 =	simm.s32 $_tile_overlayer_lowered  }
0x9b: {  	s22 =	simm.s32 $0x1BFF;
	s21 =	sshll.u32 s6, $0x1;
	s3 =	sadd.s32 s4, s19  }
0x9c: {  	s7 =	simm.s32 $0x0;
	s20 =	sshll.u32 s5, $0x1;
	s5 =	sadd.s32 s21, s3  }
0x9d: {  	[timem:s7], [sflag:s22] =	dma.local [hbm:s5], s20  }
0x9e: {  	_ =	swait.ge [sflag:s22], s20  }
0x9f: {  	s4 =	ssub.s32 $0x0, s20;
	[sflag:s22] =	ssyncset.done $0x0  }
0xa0: {  	[sflag:s22] =	ssyncadd.s32 s4;
	_ =	sdelay $0x1  }
0xa1: {  	s23 =	simm.s32 $0x1B8B  }
0xa2: {  	_ =	swait.ge [sflag:s23], $0x1  }
0xa3: {  	[sflag:s23] =	ssyncset.done $0x0  }
0xa4: {  	s25 =	simm.s32 $0x1B8E;
	s24 =	sld [smem:$0x3FFE];
	[sflag:s23] =	ssyncadd.s32 $0xFFFFFFFF  }
0xa5: {  	s26 =	simm.s32 $execute0_lowered;
	[smem:$0x3FD2] =	sst s25  }
0xa6: {  	s5 =	sshll.u32 s26, $0x1;
	_ =	strace $0x80000046;
	[dreg:$0x1] =	wrdreg $0xFFFFFFFF  }
0xa7: {  	s28 =	simm.s32 $_size_execute0_lowered;
	s3 =	sadd.s32 s3, s5;
	[dreg:$0x0] =	wrdreg $0x0  }
0xa8: {  	s5 =	sshll.u32 s28, $0x1;
	[dreg:$0x2] =	wrdreg s3  }
0xa9: {  	[dreg:$0x3] =	wrdreg s5  }
0xaa: {  	[dreg:$0x4] =	wrdreg $0xC0  }
0xab: {  	_ =	task [dreg:s7], $0x5FFFF  }
0xac: {  	[dreg:$0x1] =	wrdreg $0xFFFFFFFF  }
0xad: {  	[dreg:$0x0] =	wrdreg $0x60  }
0xae: {  	[dreg:$0x2] =	wrdreg s2  }
0xaf: {  	[dreg:$0x3] =	wrdreg s24  }
0xb0: {  	[dreg:$0x4] =	wrdreg $0x9  }
0xb1: {  	_ =	task.clear_ibuf [dreg:s7], $0x5FFFF;
	_ =	strace $0x90000046  }
0xb2: {  	s29 =	simm.s32 $0x9;
	_ =	strace $0x80000048  }
0xb3: {  	_ =	swait.ge [sflag:s29], $0x1  }
0xb4: {  	[sflag:s29] =	ssyncadd.s32 $0xFFFFFFFF  }
0xb5: {  	_ =	strace $0x90000048  }
0xb6: {  	_ =	sfence  }
0xb7: {  	s30 =	sld [smem:$0x0];
	_ =	sdelay $0x2  }
0xb8: {  	s31 =	sshll.u32 s1, $0xD;
	s1 =	sshrl.u32 s1, $0x2  }
0xb9: {  	s3 =	sand.u32 $0x4000, s31;
	s1 =	sadd.s32 s1, s30  }
0xba: {  	s0 =	sor.u32 s3, s0;
	s1 =	sshll.u32 s1, $0x11  }
0xbb: {  	s0 =	sor.u32 s1, s0  }
0xbc: {  	s0 =	sadd.s32 $0x8F2B, s0  }
0xbd: {  	[sflag:s0] =	ssyncadd.remote.s32 $0x1  }
0xbe: {  	_ =	sfence.sel $0xFFFF  }
0xbf: {  	[dreg:$0x0] =	wrdreg $0xFFFFFFFF;
	(pc) =	sbr.abs _section_cstart, $3  }
0xc0: {  	[dreg:$0x1] =	wrdreg $0xFFFFFFFF  }
0xc1: {  	_ =	task.clear_ibuf [dreg:s7], $0x2FFFF;
	_ =	strace $0x9FFFFFFF  }
0xc2: {  	(tm) =	ssettm $0x7FFFFFFF  }
0xc3: {  	_ =	shalt  }
tec
execute0_lowered:
.L_overlay_start_1:
0x0: {  	(tag) =	ssettag $0x1  }
0x1: {  	s0 =	rddreg [dreg:$0x0]  }
0x2: {  	s2 =	rddreg [dreg:$0x1];
	s1 =	simm.s32 $0x0;
	s3 =	srdreg.scid  }
0x3: {  	s7 =	stileid.u32;
	s12 =	simm.s32 $0x80;
	s13 =	simm.s32 $0x6400  }
0x4: {  	s14 =	simm.s32 $0x8400;
	s15 =	simm.s32 $0xA400;
	s16 =	simm.s32 $0x1  }
0x5: {  	s17 =	simm.s32 $0xE400;
	s18 =	simm.s32 $0xC400;
	s19 =	simm.s32 $0x2  }
0x6: {  	s20 =	simm.s32 $0x10600;
	s21 =	simm.s32 $0x3;
	s22 =	simm.s32 $0x7  }
0x7: {  	s23 =	simm.s32 $0x12800;
	s24 =	simm.s32 $0x4;
	s4 =	sand.u32 $0x1, s3  }
0x8: {  	s25 =	simm.s32 $0x8;
	s26 =	simm.s32 $0x14A00;
	s5 =	ssub.s32 $0x2, s4  }
0x9: {  	s7 =	sshll.u32 s7, $0x8;
	s8 =	sshll.u32 s4, $0x7;
	s6 =	sshrl.u32 s5, $0x1  }
0xa: {  	v0 =	vlaneseq.u32;
	[smem:$0x7FF] =	sst s1;
	s6 =	ssub.s32 s5, s6;
	s5 =	sor.u32 s8, s7  }
0xb: {  	s3 =	sadd.s32 $0xF42800, s2;
	v0 =	vmul.u32 $0x88, v0;
	_ =	strace $0x80000047;
	s0 =	sadd.s32 s0, s5  }
0xc: {  	s4 =	sadd.s32 $0x400, s2;
	s31 =	smax.u32 s6, $0x1;
	[dreg:$0x3] =	wrdreg s0  }
0xd: {  	v1 =	vadd.s32 $0x880, v0;
	v2 =	vadd.s32 $0x1100, v0;
	v3 =	vadd.s32 $0x1980, v0;
	s7 =	sadd.s32 $0x8400, s2;
	s2 =	simm.s32 $0x0;
	[dreg:$0x4] =	wrdreg s31  }
.LBB2_1:
0xe: {  	[dreg:$0x5] =	wrdreg s2  }
0xf: {  	s0 =	rddreg [dreg:$0x3]  }
0x10: {  	s29 =	simm.s32 $0x400;
	s6 =	simm.s32 $0x8000;
	s30 =	simm.s32 $0x9  }
0x11: {  	[tilespmem:s1], [sflag:$0x9] =	stream.strided.gather [hbm4b:s0+s29], $0x6400, s6, s29, $0x38;
	[tilespmem:$0x16C00] =	vst v63  }
0x12: {  	_ =	swait.ge [sflag:s30], $0x6400  }
0x13: {  	[sflag:s30] =	ssyncset.done $0x0  }
0x14: {  	[sflag:s30] =	ssyncadd.s32 $0xFFFF9C00  }
0x15: {  	[tilespmem:s13], [sflag:$0x1] =	stream.indirect.gather [hbm4b:s3+s12], $0x40, s1, s12, $0xb8;
	[tilespmem:$0x16C00] =	vst v63  }
0x16: {  	s31 =	simm.s32 $0x0  }
0x17: {  	[tilespmem:s14], [sflag:$0x2] =	stream.indirect.gather [hbm4b:s3+s12], $0x40, s12, s12, $0xb8;
	[tilespmem:$0x16C00] =	vst v63  }
.LBB2_2:
0x18: {  	s2 =	sshll.u32 s31, $0x2  }
0x19: {  	s9 =	sor.u32 $0x2, s2  }
0x1a: {  	s0 =	sshll.u32 s31, $0x9;
	s6 =	sshll.u32 s9, $0x7  }
0x1b: {  	s10 =	sand.u32 $0x7C00, s0;
	s6 =	sand.u32 $0x300, s6  }
0x1c: {  	s6 =	sor.u32 s6, s10  }
0x1d: {  	[tilespmem:s15], [sflag:$0x3] =	stream.indirect.gather [hbm4b:s3+s12], $0x40, s6, s12, $0xb8;
	[tilespmem:$0x16C00] =	vst v63  }
0x1e: {  	_ =	swait.ge [sflag:s16], $0x2000  }
0x1f: {  	p0 =	seq.s32 s31, $0x0;
	[sflag:s16] =	ssyncset.done $0x0  }
0x20: {  	s6 =	simm.s32 @!p0 $0x5;
	[sflag:s16] =	ssyncadd.s32 $0xFFFFE000  }
0x21: {  	_ =	swait.ge @!p0 [sflag:s6], $0x2000  }
0x22: {  	[sflag:s6] =	ssyncset.done @!p0 $0x0  }
0x23: {  	s28 =	simm.s32 $0x6480;
	s8 =	simm.s32 $0x3;
	[sflag:s6] =	ssyncadd.s32 @!p0 $0xFFFFE000  }
0x24: {  	v4 =	vmov s8;
	v5 =	vld [tilespmem:s28+$0x40]  }
0x25: {  	v9 =	vand.u32 $0x7F, v4  }
0x26: {  	s11 =	simm.s32 $0x0;
	v4 =	vadd.s32 v0, v9  }
0x27: {  	s29 =	simm.s32 $0x1;
	v6 =	vmov s11;
	s8 =	simm.s32 $0x2;
	v7 =	vld [tilespmem:s28+$0xFFFFFF80]  }
0x28: {  	v8 =	vand.u32 $0x7C, v6;
	v6 =	vmov s29;
	v11 =	vmov s8;
	v10 =	vld [tilespmem:s28+$0xFFFFFFC0]  }
0x29: {  	v12 =	vadd.s32 v0, v8;
	v15 =	vand.u32 $0x7D, v6;
	v6 =	vld [tilespmem:s28+$0x0];
	v5 =	vmul.f32 $8.000000000e+00, v5  }
0x2a: {  	v17 =	vand.u32 $0x7E, v11;
	v13 =	vadd.s32 v0, v15  }
0x2b: {  	v11 =	vadd.s32 v0, v17;
	[tilespmem:v4+s17+$0x0] =	vst.idx.msk $0xffff, v5  }
0x2c: {  	v4 =	vmul.f32 $8.000000000e+00, v7;
	v5 =	vld [tilespmem:s28+$0x50]  }
0x2d: {  	v7 =	vmul.f32 $8.000000000e+00, v10  }
0x2e: {  	[tilespmem:v12+s17+$0x0] =	vst.idx.msk $0xffff, v4;
	v4 =	vmul.f32 $8.000000000e+00, v6;
	v6 =	vadd.s32 v1, v9  }
0x2f: {  	[tilespmem:v13+s17+$0x0] =	vst.idx.msk $0xffff, v7;
	v10 =	vld [tilespmem:s28+$0xFFFFFF90]  }
0x30: {  	v7 =	vld [tilespmem:s28+$0xFFFFFFD0];
	[tilespmem:v11+s17+$0x0] =	vst.idx.msk $0xffff, v4  }
0x31: {  	v11 =	vld [tilespmem:s28+$0x10];
	v4 =	vmul.f32 $8.000000000e+00, v5  }
0x32: {  	s30 =	simm.s32 $0x4;
	s11 =	simm.s32 $0x7;
	s6 =	simm.s32 $0x6580;
	v12 =	vadd.s32 v1, v15  }
0x33: {  	v14 =	vld [tilespmem:s6+$0x40];
	v13 =	vadd.s32 v1, v17;
	v5 =	vmov s30;
	[tilespmem:v6+s17+$0x0] =	vst.idx.msk $0xffff, v4;
	v6 =	vmov s11  }
0x34: {  	v16 =	vadd.s32 v1, v8;
	v4 =	vand.u32 $0x7C, v5;
	v5 =	vand.u32 $0x7F, v6;
	v18 =	vld [tilespmem:s28+$0x60]  }
0x35: {  	s29 =	simm.s32 $0x5;
	v22 =	vadd.s32 v2, v9;
	v19 =	vld [tilespmem:s6+$0xFFFFFF80];
	v6 =	vmul.f32 $8.000000000e+00, v7;
	v20 =	vadd.s32 v0, v5  }
0x36: {  	v21 =	vld [tilespmem:s6+$0xFFFFFFC0];
	s30 =	simm.s32 $0x6;
	v10 =	vmul.f32 $8.000000000e+00, v10;
	v7 =	vmul.f32 $8.000000000e+00, v11;
	v11 =	vmov s29  }
0x37: {  	v23 =	vadd.s32 v0, v4;
	[tilespmem:v12+s17+$0x0] =	vst.idx.msk $0xffff, v6;
	v12 =	vmov s30;
	v6 =	vand.u32 $0x7D, v11;
	v11 =	vld [tilespmem:s6+$0x0]  }
0x38: {  	[tilespmem:v13+s17+$0x0] =	vst.idx.msk $0xffff, v7;
	v13 =	vadd.s32 v0, v6;
	v7 =	vand.u32 $0x7E, v12;
	v12 =	vmul.f32 $8.000000000e+00, v14;
	v14 =	vld [tilespmem:s28+$0xFFFFFFE0]  }
0x39: {  	[tilespmem:v16+s17+$0x0] =	vst.idx.msk $0xffff, v10;
	v10 =	vadd.s32 v0, v7;
	v16 =	vld [tilespmem:s28+$0x20];
	v18 =	vmul.f32 $8.000000000e+00, v18  }
0x3a: {  	v19 =	vmul.f32 $8.000000000e+00, v19;
	[tilespmem:v20+s17+$0x0] =	vst.idx.msk $0xffff, v12;
	v12 =	vld [tilespmem:s28+$0xFFFFFFA0];
	v20 =	vadd.s32 v2, v15  }
0x3b: {  	v25 =	vadd.s32 v2, v17;
	v21 =	vmul.f32 $8.000000000e+00, v21;
	v24 =	vld [tilespmem:s6+$0x50];
	[tilespmem:v22+s17+$0x0] =	vst.idx.msk $0xffff, v18  }
0x3c: {  	[tilespmem:v23+s17+$0x0] =	vst.idx.msk $0xffff, v19;
	v19 =	vadd.s32 v2, v8;
	v11 =	vmul.f32 $8.000000000e+00, v11;
	v22 =	vld [tilespmem:s28+$0x70]  }
0x3d: {  	v23 =	vld [tilespmem:s6+$0xFFFFFF90];
	[tilespmem:v13+s17+$0x0] =	vst.idx.msk $0xffff, v21;
	v21 =	vadd.s32 v1, v5;
	v14 =	vmul.f32 $8.000000000e+00, v14  }
0x3e: {  	v27 =	vadd.s32 v3, v9;
	v26 =	vld [tilespmem:s6+$0xFFFFFFD0];
	[tilespmem:v10+s17+$0x0] =	vst.idx.msk $0xffff, v11;
	v10 =	vmul.f32 $8.000000000e+00, v16  }
0x3f: {  	v18 =	vadd.s32 v1, v4;
	v13 =	vld [tilespmem:s6+$0x10];
	v9 =	vmul.f32 $8.000000000e+00, v12;
	[tilespmem:v20+s17+$0x0] =	vst.idx.msk $0xffff, v14  }
0x40: {  	s11 =	simm.s32 $0x8;
	v16 =	vadd.s32 v1, v6;
	[tilespmem:v25+s17+$0x0] =	vst.idx.msk $0xffff, v10;
	v14 =	vmul.f32 $8.000000000e+00, v24;
	v12 =	vld [tilespmem:s28+$0xFFFFFFF0]  }
0x41: {  	v20 =	vmov s11;
	v10 =	vadd.s32 v1, v7;
	v11 =	vld [tilespmem:s28+$0x30];
	[tilespmem:v19+s17+$0x0] =	vst.idx.msk $0xffff, v9;
	v63 =	vmul.f32 $8.000000000e+00, v22  }
0x42: {  	s8 =	simm.s32 $0x6680;
	s29 =	simm.s32 $0xB;
	v15 =	vadd.s32 v3, v15;
	v9 =	vand.u32 $0x7C, v20;
	v20 =	vmul.f32 $8.000000000e+00, v23;
	[tilespmem:v21+s17+$0x0] =	vst.idx.msk $0xffff, v14;
	v14 =	vld [tilespmem:s28+$0xFFFFFFB0]  }
0x43: {  	v17 =	vadd.s32 v3, v17;
	v22 =	vmov s29;
	v19 =	vld [tilespmem:s8+$0x40];
	s28 =	simm.s32 $0xC;
	v21 =	vmul.f32 $8.000000000e+00, v26;
	[tilespmem:v27+s17+$0x0] =	vst.idx.msk $0xffff, v63  }
.LBB2_3:
0x44: {  	p1 =	slt.u32 s28, $0x7C;
	s29 =	sadd.s32 $0x1, s11;
	v22 =	vand.u32 $0x7F, v22;
	[tilespmem:v18+s17+$0x0] =	vst.idx.msk $0xffff, v20;
	v13 =	vmul.f32 $8.000000000e+00, v13;
	v18 =	vld [tilespmem:s6+$0x60];
	v20 =	vadd.s32 v3, v8;
	v8 =	vmovc v4  }
0x45: {  	v4 =	vmovc v9;
	v23 =	vld [tilespmem:s8+$0xFFFFFF80];
	v24 =	vmov s29;
	s29 =	sadd.s32 $0x2, s11;
	v25 =	vadd.s32 v0, v22;
	[tilespmem:v16+s17+$0x0] =	vst.idx.msk $0xffff, v21;
	v12 =	vmul.f32 $8.000000000e+00, v12;
	s11 =	smov.u32 s28  }
0x46: {  	v9 =	vld [tilespmem:s8+$0xFFFFFFC0];
	v16 =	vmov s29;
	[tilespmem:v10+s17+$0x0] =	vst.idx.msk $0xffff, v13;
	v10 =	vadd.s32 v2, v5;
	v11 =	vmul.f32 $8.000000000e+00, v11  }
0x47: {  	v13 =	vadd.s32 v0, v4;
	v21 =	vand.u32 $0x7D, v24;
	v24 =	vld [tilespmem:s8+$0x0];
	v14 =	vmul.f32 $8.000000000e+00, v14;
	[tilespmem:v15+s17+$0x0] =	vst.idx.msk $0xffff, v12  }
0x48: {  	v12 =	vadd.s32 v0, v21;
	v26 =	vand.u32 $0x7E, v16;
	v15 =	vmul.f32 $8.000000000e+00, v19;
	v16 =	vld [tilespmem:s6+$0xFFFFFFE0];
	[tilespmem:v17+s17+$0x0] =	vst.idx.msk $0xffff, v11  }
0x49: {  	v11 =	vadd.s32 v0, v26;
	v17 =	vld [tilespmem:s6+$0x20];
	v18 =	vmul.f32 $8.000000000e+00, v18;
	[tilespmem:v20+s17+$0x0] =	vst.idx.msk $0xffff, v14  }
0x4a: {  	v19 =	vadd.s32 v2, v6;
	v14 =	vmul.f32 $8.000000000e+00, v23;
	[tilespmem:v25+s17+$0x0] =	vst.idx.msk $0xffff, v15;
	v15 =	vld [tilespmem:s6+$0xFFFFFFA0]  }
0x4b: {  	v23 =	vadd.s32 v2, v7;
	v9 =	vmul.f32 $8.000000000e+00, v9;
	v20 =	vld [tilespmem:s8+$0x50];
	[tilespmem:v10+s17+$0x0] =	vst.idx.msk $0xffff, v18  }
0x4c: {  	[tilespmem:v13+s17+$0x0] =	vst.idx.msk $0xffff, v14;
	v10 =	vmul.f32 $8.000000000e+00, v24;
	v14 =	vadd.s32 v2, v8;
	v24 =	vld [tilespmem:s6+$0x70]  }
0x4d: {  	v27 =	vadd.s32 v1, v22;
	v25 =	vld [tilespmem:s8+$0xFFFFFF90];
	[tilespmem:v12+s17+$0x0] =	vst.idx.msk $0xffff, v9;
	v9 =	vmul.f32 $8.000000000e+00, v16  }
0x4e: {  	v29 =	vadd.s32 v3, v5;
	v5 =	vmov v22;
	v28 =	vld [tilespmem:s8+$0xFFFFFFD0];
	[tilespmem:v11+s17+$0x0] =	vst.idx.msk $0xffff, v10;
	v10 =	vmul.f32 $8.000000000e+00, v17  }
.Ltmp0:
0x4f: {  	v18 =	vadd.s32 v1, v4;
	v13 =	vld [tilespmem:s8+$0x10];
	v11 =	vmul.f32 $8.000000000e+00, v15;
	[tilespmem:v19+s17+$0x0] =	vst.idx.msk $0xffff, v9;
	(pc) =	sbr.rel @p1 .LBB2_3-.Ltmp0, $4  }
0x50: {  	v16 =	vadd.s32 v1, v21;
	v15 =	vmul.f32 $8.000000000e+00, v20;
	v12 =	vld [tilespmem:s6+$0xFFFFFFF0];
	[tilespmem:v23+s17+$0x0] =	vst.idx.msk $0xffff, v10  }
0x51: {  	v9 =	vmov s28;
	v10 =	vadd.s32 v1, v26;
	[tilespmem:v14+s17+$0x0] =	vst.idx.msk $0xffff, v11;
	v11 =	vld [tilespmem:s6+$0x30];
	v23 =	vmul.f32 $8.000000000e+00, v24  }
0x52: {  	s29 =	sadd.s32 $0x3, s28;
	v9 =	vand.u32 $0x7C, v9;
	v20 =	vmul.f32 $8.000000000e+00, v25;
	[tilespmem:v27+s17+$0x0] =	vst.idx.msk $0xffff, v15;
	v14 =	vld [tilespmem:s6+$0xFFFFFFB0];
	v15 =	vadd.s32 v3, v6;
	v6 =	vmovc v21;
	s6 =	smov.u32 s8;
	s8 =	sadd.s32 $0x100, s8  }
0x53: {  	v22 =	vmov s29;
	v17 =	vadd.s32 v3, v7;
	v7 =	vmovc v26;
	s28 =	sadd.s32 $0x4, s28;
	v19 =	vld [tilespmem:s8+$0x40];
	v21 =	vmul.f32 $8.000000000e+00, v28;
	[tilespmem:v29+s17+$0x0] =	vst.idx.msk $0xffff, v23  }
0x54: {  	s28 =	sadd.s32 $0x1, s11;
	v22 =	vand.u32 $0x7F, v22;
	v28 =	vld [tilespmem:s8+$0xFFFFFF80]  }
0x55: {  	s11 =	sadd.s32 $0x2, s11;
	v24 =	vld [tilespmem:s8+$0xFFFFFFC0];
	v23 =	vmov s28;
	v25 =	vadd.s32 v0, v22  }
0x56: {  	v27 =	vld [tilespmem:s8+$0x0];
	v51 =	vadd.s32 v0, v9;
	v26 =	vmov s11;
	v23 =	vand.u32 $0x7D, v23  }
0x57: {  	v26 =	vand.u32 $0x7E, v26;
	v29 =	vadd.s32 v0, v23  }
0x58: {  	[tilespmem:v18+s17+$0x0] =	vst.idx.msk $0xffff, v20;
	v30 =	vadd.s32 v0, v26;
	v19 =	vmul.f32 $8.000000000e+00, v19  }
0x59: {  	[tilespmem:v16+s17+$0x0] =	vst.idx.msk $0xffff, v21;
	v54 =	vmul.f32 $8.000000000e+00, v28  }
0x5a: {  	v52 =	vmul.f32 $8.000000000e+00, v24;
	[tilespmem:v25+s17+$0x0] =	vst.idx.msk $0xffff, v19  }
0x5b: {  	v53 =	vmul.f32 $8.000000000e+00, v27;
	v55 =	vld [tilespmem:s8+$0x50];
	[tilespmem:v51+s17+$0x0] =	vst.idx.msk $0xffff, v54  }
0x5c: {  	v13 =	vmul.f32 $8.000000000e+00, v13;
	v8 =	vadd.s32 v3, v8;
	[tilespmem:v29+s17+$0x0] =	vst.idx.msk $0xffff, v52;
	v59 =	vld [tilespmem:s8+$0xFFFFFF90]  }
0x5d: {  	v12 =	vmul.f32 $8.000000000e+00, v12;
	v57 =	vadd.s32 v1, v22;
	[tilespmem:v30+s17+$0x0] =	vst.idx.msk $0xffff, v53;
	v56 =	vld [tilespmem:s8+$0xFFFFFFD0]  }
0x5e: {  	[tilespmem:v10+s17+$0x0] =	vst.idx.msk $0xffff, v13;
	v58 =	vmul.f32 $8.000000000e+00, v11;
	v28 =	vadd.s32 v1, v9;
	v19 =	vld [tilespmem:s8+$0x10]  }
0x5f: {  	v61 =	vld [tilespmem:s6+$0x60];
	v60 =	vadd.s32 v1, v23;
	v14 =	vmul.f32 $8.000000000e+00, v14;
	[tilespmem:v15+s17+$0x0] =	vst.idx.msk $0xffff, v12  }
0x60: {  	v32 =	vld [tilespmem:s6+$0xFFFFFFA0];
	v62 =	vadd.s32 v1, v26;
	[tilespmem:v17+s17+$0x0] =	vst.idx.msk $0xffff, v58;
	v16 =	vmul.f32 $8.000000000e+00, v55  }
0x61: {  	[tilespmem:v8+s17+$0x0] =	vst.idx.msk $0xffff, v14;
	v29 =	vadd.s32 v2, v5;
	v30 =	vld [tilespmem:s6+$0x20];
	v11 =	vmul.f32 $8.000000000e+00, v59  }
0x62: {  	v38 =	vadd.s32 v2, v4;
	v63 =	vld [tilespmem:s6+$0xFFFFFFE0];
	v31 =	vmul.f32 $8.000000000e+00, v56;
	[tilespmem:v57+s17+$0x0] =	vst.idx.msk $0xffff, v16  }
0x63: {  	v35 =	vadd.s32 v2, v7;
	v34 =	vmul.f32 $8.000000000e+00, v19;
	v36 =	vld [tilespmem:s8+$0x60];
	[tilespmem:v28+s17+$0x0] =	vst.idx.msk $0xffff, v11  }
0x64: {  	v33 =	vadd.s32 v2, v6;
	v37 =	vmul.f32 $8.000000000e+00, v61;
	[tilespmem:v60+s17+$0x0] =	vst.idx.msk $0xffff, v31;
	v43 =	vld [tilespmem:s8+$0xFFFFFFA0]  }
0x65: {  	v40 =	vadd.s32 v2, v22;
	v14 =	vmul.f32 $8.000000000e+00, v32;
	[tilespmem:v62+s17+$0x0] =	vst.idx.msk $0xffff, v34;
	v39 =	vld [tilespmem:s8+$0xFFFFFFE0]  }
0x66: {  	v48 =	vadd.s32 v2, v9;
	[tilespmem:v29+s17+$0x0] =	vst.idx.msk $0xffff, v37;
	v42 =	vmul.f32 $8.000000000e+00, v30;
	v41 =	vld [tilespmem:s8+$0x20]  }
0x67: {  	v44 =	vadd.s32 v2, v23;
	v15 =	vmul.f32 $8.000000000e+00, v63;
	[tilespmem:v38+s17+$0x0] =	vst.idx.msk $0xffff, v14;
	v45 =	vld [tilespmem:s6+$0x70]  }
0x68: {  	v46 =	vadd.s32 v2, v26;
	v14 =	vld [tilespmem:s6+$0xFFFFFFB0];
	[tilespmem:v35+s17+$0x0] =	vst.idx.msk $0xffff, v42;
	v47 =	vmul.f32 $8.000000000e+00, v36  }
0x69: {  	v5 =	vadd.s32 v3, v5;
	[tilespmem:v33+s17+$0x0] =	vst.idx.msk $0xffff, v15;
	v49 =	vld [tilespmem:s6+$0x30];
	v53 =	vmul.f32 $8.000000000e+00, v43  }
0x6a: {  	v4 =	vadd.s32 v3, v4;
	v21 =	vld [tilespmem:s6+$0xFFFFFFF0];
	v12 =	vmul.f32 $8.000000000e+00, v39;
	[tilespmem:v40+s17+$0x0] =	vst.idx.msk $0xffff, v47  }
0x6b: {  	v52 =	vadd.s32 v3, v7;
	v51 =	vmul.f32 $8.000000000e+00, v41;
	v10 =	vld [tilespmem:s8+$0x70];
	[tilespmem:v48+s17+$0x0] =	vst.idx.msk $0xffff, v53  }
0x6c: {  	v50 =	vadd.s32 v3, v6;
	v54 =	vmul.f32 $8.000000000e+00, v45;
	[tilespmem:v44+s17+$0x0] =	vst.idx.msk $0xffff, v12;
	v59 =	vld [tilespmem:s8+$0xFFFFFFB0]  }
0x6d: {  	v57 =	vadd.s32 v3, v22;
	v14 =	vmul.f32 $8.000000000e+00, v14;
	[tilespmem:v46+s17+$0x0] =	vst.idx.msk $0xffff, v51;
	v55 =	vld [tilespmem:s8+$0xFFFFFFF0]  }
0x6e: {  	v62 =	vadd.s32 v3, v9;
	[tilespmem:v5+s17+$0x0] =	vst.idx.msk $0xffff, v54;
	v5 =	vmul.f32 $8.000000000e+00, v49;
	v58 =	vld [tilespmem:s8+$0x30]  }
0x6f: {  	v56 =	vmul.f32 $8.000000000e+00, v21;
	v60 =	vadd.s32 v3, v23;
	[tilespmem:v4+s17+$0x0] =	vst.idx.msk $0xffff, v14  }
0x70: {  	v61 =	vadd.s32 v3, v26;
	[tilespmem:v52+s17+$0x0] =	vst.idx.msk $0xffff, v5;
	v5 =	vmul.f32 $8.000000000e+00, v10  }
0x71: {  	s11 =	sshll.u32 s31, $0x14;
	[tilespmem:v50+s17+$0x0] =	vst.idx.msk $0xffff, v56;
	v63 =	vmul.f32 $8.000000000e+00, v59  }
0x72: {  	s6 =	sor.u32 s5, s11;
	v4 =	vmul.f32 $8.000000000e+00, v55;
	[tilespmem:v57+s17+$0x0] =	vst.idx.msk $0xffff, v5  }
0x73: {  	s6 =	sshrl.u32 s6, $0x3;
	v5 =	vmul.f32 $8.000000000e+00, v58;
	[tilespmem:v62+s17+$0x0] =	vst.idx.msk $0xffff, v63  }
0x74: {  	s29 =	simm.s32 $0xE488;
	s8 =	sadd.s32 s4, s6;
	[tilespmem:v60+s17+$0x0] =	vst.idx.msk $0xffff, v4  }
0x75: {  	s28 =	simm.s32 $0x200;
	s11 =	simm.s32 $0xE400;
	s30 =	sadd.s32 $0x0, s8;
	[tilespmem:v61+s17+$0x0] =	vst.idx.msk $0xffff, v5  }
.LBB2_5:
0x76: {  	[hbm4b:s30+s1] =	stream.linear.scatter [tilespmem:s11], [sflag:$0x5], $0x80, $0x38;
	[tilespmem:$0x16C00] =	vst v63  }
0x77: {  	s30 =	smov.u32 s28;
	s11 =	smov.u32 s29;
	p1 =	sne.s32 s28, $0x7E00  }
.Ltmp1:
0x78: {  	s28 =	sadd.s32 $0x200, s28;
	(pc) =	sbr.rel @p1 .LBB2_5-.Ltmp1, $2  }
0x79: {  	_ =	sdelay $0x2  }
0x7a: {  	s29 =	sadd.s32 $0x88, s29;
	s30 =	sadd.s32 s30, s8  }
0x7b: {  	[hbm4b:s30+s1] =	stream.linear.scatter [tilespmem:s11], [sflag:$0x5], $0x80, $0x38;
	[tilespmem:$0x16C00] =	vst v63  }
0x7c: {  	s2 =	sor.u32 $0x3, s2  }
0x7d: {  	s8 =	sshll.u32 s2, $0x7  }
0x7e: {  	s8 =	sand.u32 $0x380, s8  }
0x7f: {  	s8 =	sadd.s32 s8, s10  }
0x80: {  	[tilespmem:s18], [sflag:$0x4] =	stream.indirect.gather [hbm4b:s3+s12], $0x40, s8, s12, $0xb8;
	[tilespmem:$0x16C00] =	vst v63  }
0x81: {  	_ =	swait.ge [sflag:s19], $0x2000  }
0x82: {  	[sflag:s19] =	ssyncset.done $0x0  }
0x83: {  	s8 =	simm.s32 @!p0 $0x6;
	[sflag:s19] =	ssyncadd.s32 $0xFFFFE000  }
0x84: {  	_ =	swait.ge @!p0 [sflag:s8], $0x2000  }
0x85: {  	[sflag:s8] =	ssyncset.done @!p0 $0x0  }
0x86: {  	s28 =	simm.s32 $0x8480;
	s29 =	simm.s32 $0x3;
	[sflag:s8] =	ssyncadd.s32 @!p0 $0xFFFFE000  }
0x87: {  	v4 =	vmov s29;
	v5 =	vld [tilespmem:s28+$0x40]  }
0x88: {  	v9 =	vand.u32 $0x7F, v4  }
0x89: {  	s30 =	simm.s32 $0x0;
	v4 =	vadd.s32 v0, v9  }
0x8a: {  	s11 =	simm.s32 $0x2;
	v6 =	vmov s30;
	s10 =	simm.s32 $0x1;
	v7 =	vld [tilespmem:s28+$0xFFFFFF80]  }
0x8b: {  	v11 =	vmov s11;
	v8 =	vand.u32 $0x7C, v6;
	v6 =	vmov s10;
	v10 =	vld [tilespmem:s28+$0xFFFFFFC0]  }
0x8c: {  	v12 =	vadd.s32 v0, v8;
	v15 =	vand.u32 $0x7D, v6;
	v6 =	vld [tilespmem:s28+$0x0];
	v5 =	vmul.f32 $8.000000000e+00, v5  }
0x8d: {  	v17 =	vand.u32 $0x7E, v11;
	v13 =	vadd.s32 v0, v15  }
0x8e: {  	v11 =	vadd.s32 v0, v17;
	[tilespmem:v4+s20+$0x0] =	vst.idx.msk $0xffff, v5  }
0x8f: {  	v4 =	vmul.f32 $8.000000000e+00, v7;
	v5 =	vld [tilespmem:s28+$0x50]  }
0x90: {  	v7 =	vmul.f32 $8.000000000e+00, v10  }
0x91: {  	[tilespmem:v12+s20+$0x0] =	vst.idx.msk $0xffff, v4;
	v4 =	vmul.f32 $8.000000000e+00, v6;
	v6 =	vadd.s32 v1, v9  }
0x92: {  	[tilespmem:v13+s20+$0x0] =	vst.idx.msk $0xffff, v7;
	v10 =	vld [tilespmem:s28+$0xFFFFFF90]  }
0x93: {  	v7 =	vld [tilespmem:s28+$0xFFFFFFD0];
	[tilespmem:v11+s20+$0x0] =	vst.idx.msk $0xffff, v4  }
0x94: {  	v11 =	vld [tilespmem:s28+$0x10];
	v4 =	vmul.f32 $8.000000000e+00, v5  }
0x95: {  	s29 =	simm.s32 $0x4;
	s30 =	simm.s32 $0x7;
	s10 =	simm.s32 $0x8580;
	v12 =	vadd.s32 v1, v15  }
0x96: {  	v14 =	vld [tilespmem:s10+$0x40];
	v13 =	vadd.s32 v1, v17;
	v5 =	vmov s29;
	[tilespmem:v6+s20+$0x0] =	vst.idx.msk $0xffff, v4;
	v6 =	vmov s30  }
0x97: {  	v16 =	vadd.s32 v1, v8;
	v4 =	vand.u32 $0x7C, v5;
	v5 =	vand.u32 $0x7F, v6;
	v18 =	vld [tilespmem:s28+$0x60]  }
0x98: {  	v22 =	vadd.s32 v2, v9;
	v19 =	vld [tilespmem:s10+$0xFFFFFF80];
	s29 =	simm.s32 $0x5;
	v6 =	vmul.f32 $8.000000000e+00, v7;
	v20 =	vadd.s32 v0, v5  }
0x99: {  	v21 =	vld [tilespmem:s10+$0xFFFFFFC0];
	v10 =	vmul.f32 $8.000000000e+00, v10;
	s30 =	simm.s32 $0x6;
	v7 =	vmul.f32 $8.000000000e+00, v11;
	v11 =	vmov s29  }
0x9a: {  	v23 =	vadd.s32 v0, v4;
	[tilespmem:v12+s20+$0x0] =	vst.idx.msk $0xffff, v6;
	v12 =	vmov s30;
	v6 =	vand.u32 $0x7D, v11;
	v11 =	vld [tilespmem:s10+$0x0]  }
0x9b: {  	[tilespmem:v13+s20+$0x0] =	vst.idx.msk $0xffff, v7;
	v13 =	vadd.s32 v0, v6;
	v7 =	vand.u32 $0x7E, v12;
	v12 =	vmul.f32 $8.000000000e+00, v14;
	v14 =	vld [tilespmem:s28+$0xFFFFFFE0]  }
0x9c: {  	[tilespmem:v16+s20+$0x0] =	vst.idx.msk $0xffff, v10;
	v10 =	vadd.s32 v0, v7;
	v16 =	vld [tilespmem:s28+$0x20];
	v18 =	vmul.f32 $8.000000000e+00, v18  }
0x9d: {  	v19 =	vmul.f32 $8.000000000e+00, v19;
	[tilespmem:v20+s20+$0x0] =	vst.idx.msk $0xffff, v12;
	v12 =	vld [tilespmem:s28+$0xFFFFFFA0];
	v20 =	vadd.s32 v2, v15  }
0x9e: {  	v25 =	vadd.s32 v2, v17;
	v21 =	vmul.f32 $8.000000000e+00, v21;
	v24 =	vld [tilespmem:s10+$0x50];
	[tilespmem:v22+s20+$0x0] =	vst.idx.msk $0xffff, v18  }
0x9f: {  	[tilespmem:v23+s20+$0x0] =	vst.idx.msk $0xffff, v19;
	v19 =	vadd.s32 v2, v8;
	v11 =	vmul.f32 $8.000000000e+00, v11;
	v22 =	vld [tilespmem:s28+$0x70]  }
0xa0: {  	v23 =	vld [tilespmem:s10+$0xFFFFFF90];
	[tilespmem:v13+s20+$0x0] =	vst.idx.msk $0xffff, v21;
	v21 =	vadd.s32 v1, v5;
	v14 =	vmul.f32 $8.000000000e+00, v14  }
0xa1: {  	v27 =	vadd.s32 v3, v9;
	v26 =	vld [tilespmem:s10+$0xFFFFFFD0];
	[tilespmem:v10+s20+$0x0] =	vst.idx.msk $0xffff, v11;
	v10 =	vmul.f32 $8.000000000e+00, v16  }
0xa2: {  	v18 =	vadd.s32 v1, v4;
	v13 =	vld [tilespmem:s10+$0x10];
	v9 =	vmul.f32 $8.000000000e+00, v12;
	[tilespmem:v20+s20+$0x0] =	vst.idx.msk $0xffff, v14  }
0xa3: {  	s11 =	simm.s32 $0x8;
	v16 =	vadd.s32 v1, v6;
	[tilespmem:v25+s20+$0x0] =	vst.idx.msk $0xffff, v10;
	v14 =	vmul.f32 $8.000000000e+00, v24;
	v12 =	vld [tilespmem:s28+$0xFFFFFFF0]  }
0xa4: {  	v20 =	vmov s11;
	v10 =	vadd.s32 v1, v7;
	v11 =	vld [tilespmem:s28+$0x30];
	[tilespmem:v19+s20+$0x0] =	vst.idx.msk $0xffff, v9;
	v63 =	vmul.f32 $8.000000000e+00, v22  }
0xa5: {  	s8 =	simm.s32 $0x8680;
	s29 =	simm.s32 $0xB;
	v15 =	vadd.s32 v3, v15;
	v9 =	vand.u32 $0x7C, v20;
	v20 =	vmul.f32 $8.000000000e+00, v23;
	[tilespmem:v21+s20+$0x0] =	vst.idx.msk $0xffff, v14;
	v14 =	vld [tilespmem:s28+$0xFFFFFFB0]  }
0xa6: {  	v17 =	vadd.s32 v3, v17;
	v22 =	vmov s29;
	v19 =	vld [tilespmem:s8+$0x40];
	s28 =	simm.s32 $0xC;
	v21 =	vmul.f32 $8.000000000e+00, v26;
	[tilespmem:v27+s20+$0x0] =	vst.idx.msk $0xffff, v63  }
.LBB2_7:
0xa7: {  	p1 =	slt.u32 s28, $0x7C;
	s29 =	sadd.s32 $0x1, s11;
	v22 =	vand.u32 $0x7F, v22;
	[tilespmem:v18+s20+$0x0] =	vst.idx.msk $0xffff, v20;
	v13 =	vmul.f32 $8.000000000e+00, v13;
	v18 =	vld [tilespmem:s10+$0x60];
	v20 =	vadd.s32 v3, v8;
	v8 =	vmovc v4  }
0xa8: {  	v4 =	vmovc v9;
	v23 =	vld [tilespmem:s8+$0xFFFFFF80];
	v24 =	vmov s29;
	s29 =	sadd.s32 $0x2, s11;
	v25 =	vadd.s32 v0, v22;
	[tilespmem:v16+s20+$0x0] =	vst.idx.msk $0xffff, v21;
	v12 =	vmul.f32 $8.000000000e+00, v12;
	s11 =	smov.u32 s28  }
0xa9: {  	v9 =	vld [tilespmem:s8+$0xFFFFFFC0];
	v16 =	vmov s29;
	[tilespmem:v10+s20+$0x0] =	vst.idx.msk $0xffff, v13;
	v10 =	vadd.s32 v2, v5;
	v11 =	vmul.f32 $8.000000000e+00, v11  }
0xaa: {  	v13 =	vadd.s32 v0, v4;
	v21 =	vand.u32 $0x7D, v24;
	v24 =	vld [tilespmem:s8+$0x0];
	v14 =	vmul.f32 $8.000000000e+00, v14;
	[tilespmem:v15+s20+$0x0] =	vst.idx.msk $0xffff, v12  }
0xab: {  	v12 =	vadd.s32 v0, v21;
	v26 =	vand.u32 $0x7E, v16;
	v15 =	vmul.f32 $8.000000000e+00, v19;
	v16 =	vld [tilespmem:s10+$0xFFFFFFE0];
	[tilespmem:v17+s20+$0x0] =	vst.idx.msk $0xffff, v11  }
0xac: {  	v11 =	vadd.s32 v0, v26;
	v17 =	vld [tilespmem:s10+$0x20];
	v18 =	vmul.f32 $8.000000000e+00, v18;
	[tilespmem:v20+s20+$0x0] =	vst.idx.msk $0xffff, v14  }
0xad: {  	v19 =	vadd.s32 v2, v6;
	v14 =	vmul.f32 $8.000000000e+00, v23;
	[tilespmem:v25+s20+$0x0] =	vst.idx.msk $0xffff, v15;
	v15 =	vld [tilespmem:s10+$0xFFFFFFA0]  }
0xae: {  	v23 =	vadd.s32 v2, v7;
	v9 =	vmul.f32 $8.000000000e+00, v9;
	v20 =	vld [tilespmem:s8+$0x50];
	[tilespmem:v10+s20+$0x0] =	vst.idx.msk $0xffff, v18  }
0xaf: {  	[tilespmem:v13+s20+$0x0] =	vst.idx.msk $0xffff, v14;
	v10 =	vmul.f32 $8.000000000e+00, v24;
	v14 =	vadd.s32 v2, v8;
	v24 =	vld [tilespmem:s10+$0x70]  }
0xb0: {  	v27 =	vadd.s32 v1, v22;
	v25 =	vld [tilespmem:s8+$0xFFFFFF90];
	[tilespmem:v12+s20+$0x0] =	vst.idx.msk $0xffff, v9;
	v9 =	vmul.f32 $8.000000000e+00, v16  }
0xb1: {  	v29 =	vadd.s32 v3, v5;
	v5 =	vmov v22;
	v28 =	vld [tilespmem:s8+$0xFFFFFFD0];
	[tilespmem:v11+s20+$0x0] =	vst.idx.msk $0xffff, v10;
	v10 =	vmul.f32 $8.000000000e+00, v17  }
.Ltmp2:
0xb2: {  	v18 =	vadd.s32 v1, v4;
	v13 =	vld [tilespmem:s8+$0x10];
	v11 =	vmul.f32 $8.000000000e+00, v15;
	[tilespmem:v19+s20+$0x0] =	vst.idx.msk $0xffff, v9;
	(pc) =	sbr.rel @p1 .LBB2_7-.Ltmp2, $4  }
0xb3: {  	v16 =	vadd.s32 v1, v21;
	v15 =	vmul.f32 $8.000000000e+00, v20;
	v12 =	vld [tilespmem:s10+$0xFFFFFFF0];
	[tilespmem:v23+s20+$0x0] =	vst.idx.msk $0xffff, v10  }
0xb4: {  	v9 =	vmov s28;
	v10 =	vadd.s32 v1, v26;
	[tilespmem:v14+s20+$0x0] =	vst.idx.msk $0xffff, v11;
	v11 =	vld [tilespmem:s10+$0x30];
	v23 =	vmul.f32 $8.000000000e+00, v24  }
0xb5: {  	s29 =	sadd.s32 $0x3, s28;
	v9 =	vand.u32 $0x7C, v9;
	v20 =	vmul.f32 $8.000000000e+00, v25;
	[tilespmem:v27+s20+$0x0] =	vst.idx.msk $0xffff, v15;
	v14 =	vld [tilespmem:s10+$0xFFFFFFB0];
	v15 =	vadd.s32 v3, v6;
	v6 =	vmovc v21;
	s10 =	smov.u32 s8;
	s8 =	sadd.s32 $0x100, s8  }
0xb6: {  	v22 =	vmov s29;
	v17 =	vadd.s32 v3, v7;
	v7 =	vmovc v26;
	s28 =	sadd.s32 $0x4, s28;
	v19 =	vld [tilespmem:s8+$0x40];
	v21 =	vmul.f32 $8.000000000e+00, v28;
	[tilespmem:v29+s20+$0x0] =	vst.idx.msk $0xffff, v23  }
0xb7: {  	s28 =	sadd.s32 $0x1, s11;
	v22 =	vand.u32 $0x7F, v22;
	v28 =	vld [tilespmem:s8+$0xFFFFFF80]  }
0xb8: {  	s30 =	sadd.s32 $0x2, s11;
	v24 =	vld [tilespmem:s8+$0xFFFFFFC0];
	v23 =	vmov s28;
	v25 =	vadd.s32 v0, v22  }
0xb9: {  	v27 =	vld [tilespmem:s8+$0x0];
	v51 =	vadd.s32 v0, v9;
	v26 =	vmov s30;
	v23 =	vand.u32 $0x7D, v23  }
0xba: {  	v26 =	vand.u32 $0x7E, v26;
	v29 =	vadd.s32 v0, v23  }
0xbb: {  	[tilespmem:v18+s20+$0x0] =	vst.idx.msk $0xffff, v20;
	v30 =	vadd.s32 v0, v26;
	v19 =	vmul.f32 $8.000000000e+00, v19  }
0xbc: {  	[tilespmem:v16+s20+$0x0] =	vst.idx.msk $0xffff, v21;
	v54 =	vmul.f32 $8.000000000e+00, v28  }
0xbd: {  	v52 =	vmul.f32 $8.000000000e+00, v24;
	[tilespmem:v25+s20+$0x0] =	vst.idx.msk $0xffff, v19  }
0xbe: {  	v53 =	vmul.f32 $8.000000000e+00, v27;
	v55 =	vld [tilespmem:s8+$0x50];
	[tilespmem:v51+s20+$0x0] =	vst.idx.msk $0xffff, v54  }
0xbf: {  	v13 =	vmul.f32 $8.000000000e+00, v13;
	v8 =	vadd.s32 v3, v8;
	[tilespmem:v29+s20+$0x0] =	vst.idx.msk $0xffff, v52;
	v59 =	vld [tilespmem:s8+$0xFFFFFF90]  }
0xc0: {  	v12 =	vmul.f32 $8.000000000e+00, v12;
	v57 =	vadd.s32 v1, v22;
	[tilespmem:v30+s20+$0x0] =	vst.idx.msk $0xffff, v53;
	v56 =	vld [tilespmem:s8+$0xFFFFFFD0]  }
0xc1: {  	[tilespmem:v10+s20+$0x0] =	vst.idx.msk $0xffff, v13;
	v58 =	vmul.f32 $8.000000000e+00, v11;
	v28 =	vadd.s32 v1, v9;
	v19 =	vld [tilespmem:s8+$0x10]  }
0xc2: {  	v61 =	vld [tilespmem:s10+$0x60];
	v60 =	vadd.s32 v1, v23;
	v14 =	vmul.f32 $8.000000000e+00, v14;
	[tilespmem:v15+s20+$0x0] =	vst.idx.msk $0xffff, v12  }
0xc3: {  	v32 =	vld [tilespmem:s10+$0xFFFFFFA0];
	v62 =	vadd.s32 v1, v26;
	[tilespmem:v17+s20+$0x0] =	vst.idx.msk $0xffff, v58;
	v16 =	vmul.f32 $8.000000000e+00, v55  }
0xc4: {  	[tilespmem:v8+s20+$0x0] =	vst.idx.msk $0xffff, v14;
	v29 =	vadd.s32 v2, v5;
	v30 =	vld [tilespmem:s10+$0x20];
	v11 =	vmul.f32 $8.000000000e+00, v59  }
0xc5: {  	v38 =	vadd.s32 v2, v4;
	v63 =	vld [tilespmem:s10+$0xFFFFFFE0];
	v31 =	vmul.f32 $8.000000000e+00, v56;
	[tilespmem:v57+s20+$0x0] =	vst.idx.msk $0xffff, v16  }
0xc6: {  	v35 =	vadd.s32 v2, v7;
	v34 =	vmul.f32 $8.000000000e+00, v19;
	v36 =	vld [tilespmem:s8+$0x60];
	[tilespmem:v28+s20+$0x0] =	vst.idx.msk $0xffff, v11  }
0xc7: {  	v33 =	vadd.s32 v2, v6;
	v37 =	vmul.f32 $8.000000000e+00, v61;
	[tilespmem:v60+s20+$0x0] =	vst.idx.msk $0xffff, v31;
	v43 =	vld [tilespmem:s8+$0xFFFFFFA0]  }
0xc8: {  	v40 =	vadd.s32 v2, v22;
	v14 =	vmul.f32 $8.000000000e+00, v32;
	[tilespmem:v62+s20+$0x0] =	vst.idx.msk $0xffff, v34;
	v39 =	vld [tilespmem:s8+$0xFFFFFFE0]  }
0xc9: {  	v48 =	vadd.s32 v2, v9;
	[tilespmem:v29+s20+$0x0] =	vst.idx.msk $0xffff, v37;
	v42 =	vmul.f32 $8.000000000e+00, v30;
	v41 =	vld [tilespmem:s8+$0x20]  }
0xca: {  	v44 =	vadd.s32 v2, v23;
	v15 =	vmul.f32 $8.000000000e+00, v63;
	[tilespmem:v38+s20+$0x0] =	vst.idx.msk $0xffff, v14;
	v45 =	vld [tilespmem:s10+$0x70]  }
0xcb: {  	v46 =	vadd.s32 v2, v26;
	v14 =	vld [tilespmem:s10+$0xFFFFFFB0];
	[tilespmem:v35+s20+$0x0] =	vst.idx.msk $0xffff, v42;
	v47 =	vmul.f32 $8.000000000e+00, v36  }
0xcc: {  	v5 =	vadd.s32 v3, v5;
	[tilespmem:v33+s20+$0x0] =	vst.idx.msk $0xffff, v15;
	v49 =	vld [tilespmem:s10+$0x30];
	v53 =	vmul.f32 $8.000000000e+00, v43  }
0xcd: {  	v4 =	vadd.s32 v3, v4;
	v21 =	vld [tilespmem:s10+$0xFFFFFFF0];
	v12 =	vmul.f32 $8.000000000e+00, v39;
	[tilespmem:v40+s20+$0x0] =	vst.idx.msk $0xffff, v47  }
0xce: {  	v52 =	vadd.s32 v3, v7;
	v51 =	vmul.f32 $8.000000000e+00, v41;
	v10 =	vld [tilespmem:s8+$0x70];
	[tilespmem:v48+s20+$0x0] =	vst.idx.msk $0xffff, v53  }
0xcf: {  	v50 =	vadd.s32 v3, v6;
	v54 =	vmul.f32 $8.000000000e+00, v45;
	[tilespmem:v44+s20+$0x0] =	vst.idx.msk $0xffff, v12;
	v59 =	vld [tilespmem:s8+$0xFFFFFFB0]  }
0xd0: {  	v57 =	vadd.s32 v3, v22;
	v14 =	vmul.f32 $8.000000000e+00, v14;
	[tilespmem:v46+s20+$0x0] =	vst.idx.msk $0xffff, v51;
	v55 =	vld [tilespmem:s8+$0xFFFFFFF0]  }
0xd1: {  	v62 =	vadd.s32 v3, v9;
	[tilespmem:v5+s20+$0x0] =	vst.idx.msk $0xffff, v54;
	v5 =	vmul.f32 $8.000000000e+00, v49;
	v58 =	vld [tilespmem:s8+$0x30]  }
0xd2: {  	v56 =	vmul.f32 $8.000000000e+00, v21;
	v60 =	vadd.s32 v3, v23;
	[tilespmem:v4+s20+$0x0] =	vst.idx.msk $0xffff, v14  }
0xd3: {  	v61 =	vadd.s32 v3, v26;
	[tilespmem:v52+s20+$0x0] =	vst.idx.msk $0xffff, v5;
	v5 =	vmul.f32 $8.000000000e+00, v10  }
0xd4: {  	[tilespmem:v50+s20+$0x0] =	vst.idx.msk $0xffff, v56;
	v63 =	vmul.f32 $8.000000000e+00, v59  }
0xd5: {  	v4 =	vmul.f32 $8.000000000e+00, v55;
	[tilespmem:v57+s20+$0x0] =	vst.idx.msk $0xffff, v5  }
0xd6: {  	v5 =	vmul.f32 $8.000000000e+00, v58;
	[tilespmem:v62+s20+$0x0] =	vst.idx.msk $0xffff, v63  }
0xd7: {  	s6 =	sadd.s32 s6, s7;
	s11 =	simm.s32 $0x10688;
	[tilespmem:v60+s20+$0x0] =	vst.idx.msk $0xffff, v4  }
0xd8: {  	s28 =	sadd.s32 $0x0, s6;
	s10 =	simm.s32 $0x200;
	s8 =	simm.s32 $0x10600;
	[tilespmem:v61+s20+$0x0] =	vst.idx.msk $0xffff, v5  }
.LBB2_9:
0xd9: {  	[hbm4b:s28+s1] =	stream.linear.scatter [tilespmem:s8], [sflag:$0x6], $0x80, $0x38;
	[tilespmem:$0x16C00] =	vst v63  }
0xda: {  	s28 =	smov.u32 s10;
	s8 =	smov.u32 s11;
	p1 =	sne.s32 s10, $0x7E00  }
.Ltmp3:
0xdb: {  	s10 =	sadd.s32 $0x200, s10;
	(pc) =	sbr.rel @p1 .LBB2_9-.Ltmp3, $2  }
0xdc: {  	_ =	sdelay $0x2  }
0xdd: {  	s11 =	sadd.s32 $0x88, s11;
	s28 =	sadd.s32 s28, s6  }
0xde: {  	p1 =	sne.s32 s31, $0x31  }
.Ltmp4:
0xdf: {  	_ = 	snop;
	(pc) =	sbr.rel @p1 .LBB2_12-.Ltmp4, $2  }
0xe0: {  	_ =	sdelay $0x2  }
0xe1: {  	[hbm4b:s28+s1] =	stream.linear.scatter [tilespmem:s8], [sflag:$0x6], $0x80, $0x38;
	[tilespmem:$0x16C00] =	vst v63  }
.Ltmp5:
0xe2: {  	(pc) =	sbr.rel .LBB2_13-.Ltmp5, $4  }
0xe3: {  	_ = 	snop  }
0xe4: {  	_ =	swait.ge [sflag:s21], $0x2000  }
0xe5: {  	[sflag:s21] =	ssyncset.done $0x0  }
0xe6: {  	[sflag:s21] =	ssyncadd.s32 $0xFFFFE000  }
.LBB2_12:
0xe7: {  	s6 =	sadd.s32 $0x200, s0  }
.Ltmp6:
0xe8: {  	s6 =	sand.u32 $0xFE00, s6;
	(pc) =	sbr.rel @p0 .LBB2_14-.Ltmp6, $4  }
0xe9: {  	[tilespmem:s13], [sflag:$0x1] =	stream.indirect.gather [hbm4b:s3+s12], $0x40, s6, s12, $0xb8;
	[tilespmem:$0x16C00] =	vst v63  }
0xea: {  	_ =	swait.ge [sflag:s21], $0x2000  }
0xeb: {  	[sflag:s21] =	ssyncset.done $0x0  }
0xec: {  	[sflag:s21] =	ssyncadd.s32 $0xFFFFE000  }
.LBB2_13:
0xed: {  	_ =	swait.ge [sflag:s22], $0x2000  }
0xee: {  	[sflag:s22] =	ssyncset.done $0x0  }
0xef: {  	[sflag:s22] =	ssyncadd.s32 $0xFFFFE000  }
.LBB2_14:
0xf0: {  	s11 =	simm.s32 $0xA480;
	s6 =	simm.s32 $0x3  }
0xf1: {  	v4 =	vmov s6;
	v5 =	vld [tilespmem:s11+$0x40]  }
0xf2: {  	v9 =	vand.u32 $0x7F, v4  }
0xf3: {  	s8 =	simm.s32 $0x0;
	v4 =	vadd.s32 v0, v9  }
0xf4: {  	s10 =	simm.s32 $0x1;
	v6 =	vmov s8;
	v7 =	vld [tilespmem:s11+$0xFFFFFF80];
	s8 =	simm.s32 $0x2  }
0xf5: {  	v10 =	vld [tilespmem:s11+$0xFFFFFFC0];
	v8 =	vand.u32 $0x7C, v6;
	v6 =	vmov s10;
	v11 =	vmov s8  }
0xf6: {  	v12 =	vadd.s32 v0, v8;
	v15 =	vand.u32 $0x7D, v6;
	v6 =	vld [tilespmem:s11+$0x0];
	v5 =	vmul.f32 $8.000000000e+00, v5  }
0xf7: {  	v17 =	vand.u32 $0x7E, v11;
	v13 =	vadd.s32 v0, v15  }
0xf8: {  	v11 =	vadd.s32 v0, v17;
	[tilespmem:v4+s23+$0x0] =	vst.idx.msk $0xffff, v5  }
0xf9: {  	v4 =	vmul.f32 $8.000000000e+00, v7;
	v5 =	vld [tilespmem:s11+$0x50]  }
0xfa: {  	v7 =	vmul.f32 $8.000000000e+00, v10  }
0xfb: {  	[tilespmem:v12+s23+$0x0] =	vst.idx.msk $0xffff, v4;
	v4 =	vmul.f32 $8.000000000e+00, v6;
	v6 =	vadd.s32 v1, v9  }
0xfc: {  	[tilespmem:v13+s23+$0x0] =	vst.idx.msk $0xffff, v7;
	v10 =	vld [tilespmem:s11+$0xFFFFFF90]  }
0xfd: {  	v7 =	vld [tilespmem:s11+$0xFFFFFFD0];
	[tilespmem:v11+s23+$0x0] =	vst.idx.msk $0xffff, v4  }
0xfe: {  	v11 =	vld [tilespmem:s11+$0x10];
	v4 =	vmul.f32 $8.000000000e+00, v5  }
0xff: {  	s28 =	simm.s32 $0x4;
	s6 =	simm.s32 $0xA580;
	s10 =	simm.s32 $0x7;
	v12 =	vadd.s32 v1, v15  }
0x100: {  	v14 =	vld [tilespmem:s6+$0x40];
	v13 =	vadd.s32 v1, v17;
	v5 =	vmov s28;
	[tilespmem:v6+s23+$0x0] =	vst.idx.msk $0xffff, v4;
	v6 =	vmov s10  }
0x101: {  	v16 =	vadd.s32 v1, v8;
	v4 =	vand.u32 $0x7C, v5;
	v5 =	vand.u32 $0x7F, v6;
	v18 =	vld [tilespmem:s11+$0x60]  }
0x102: {  	s29 =	simm.s32 $0x5;
	v19 =	vld [tilespmem:s6+$0xFFFFFF80];
	v22 =	vadd.s32 v2, v9;
	v6 =	vmul.f32 $8.000000000e+00, v7;
	v20 =	vadd.s32 v0, v5  }
0x103: {  	s30 =	simm.s32 $0x6;
	v21 =	vld [tilespmem:s6+$0xFFFFFFC0];
	v10 =	vmul.f32 $8.000000000e+00, v10;
	v7 =	vmul.f32 $8.000000000e+00, v11;
	v11 =	vmov s29  }
0x104: {  	v23 =	vadd.s32 v0, v4;
	[tilespmem:v12+s23+$0x0] =	vst.idx.msk $0xffff, v6;
	v12 =	vmov s30;
	v6 =	vand.u32 $0x7D, v11;
	v11 =	vld [tilespmem:s6+$0x0]  }
0x105: {  	[tilespmem:v13+s23+$0x0] =	vst.idx.msk $0xffff, v7;
	v13 =	vadd.s32 v0, v6;
	v7 =	vand.u32 $0x7E, v12;
	v12 =	vmul.f32 $8.000000000e+00, v14;
	v14 =	vld [tilespmem:s11+$0xFFFFFFE0]  }
0x106: {  	[tilespmem:v16+s23+$0x0] =	vst.idx.msk $0xffff, v10;
	v10 =	vadd.s32 v0, v7;
	v16 =	vld [tilespmem:s11+$0x20];
	v18 =	vmul.f32 $8.000000000e+00, v18  }
0x107: {  	v19 =	vmul.f32 $8.000000000e+00, v19;
	[tilespmem:v20+s23+$0x0] =	vst.idx.msk $0xffff, v12;
	v12 =	vld [tilespmem:s11+$0xFFFFFFA0];
	v20 =	vadd.s32 v2, v15  }
0x108: {  	v25 =	vadd.s32 v2, v17;
	v21 =	vmul.f32 $8.000000000e+00, v21;
	v24 =	vld [tilespmem:s6+$0x50];
	[tilespmem:v22+s23+$0x0] =	vst.idx.msk $0xffff, v18  }
0x109: {  	[tilespmem:v23+s23+$0x0] =	vst.idx.msk $0xffff, v19;
	v19 =	vadd.s32 v2, v8;
	v11 =	vmul.f32 $8.000000000e+00, v11;
	v22 =	vld [tilespmem:s11+$0x70]  }
0x10a: {  	v23 =	vld [tilespmem:s6+$0xFFFFFF90];
	[tilespmem:v13+s23+$0x0] =	vst.idx.msk $0xffff, v21;
	v21 =	vadd.s32 v1, v5;
	v14 =	vmul.f32 $8.000000000e+00, v14  }
0x10b: {  	v27 =	vadd.s32 v3, v9;
	v26 =	vld [tilespmem:s6+$0xFFFFFFD0];
	[tilespmem:v10+s23+$0x0] =	vst.idx.msk $0xffff, v11;
	v10 =	vmul.f32 $8.000000000e+00, v16  }
0x10c: {  	v18 =	vadd.s32 v1, v4;
	v13 =	vld [tilespmem:s6+$0x10];
	v9 =	vmul.f32 $8.000000000e+00, v12;
	[tilespmem:v20+s23+$0x0] =	vst.idx.msk $0xffff, v14  }
0x10d: {  	s10 =	simm.s32 $0x8;
	v16 =	vadd.s32 v1, v6;
	[tilespmem:v25+s23+$0x0] =	vst.idx.msk $0xffff, v10;
	v14 =	vmul.f32 $8.000000000e+00, v24;
	v12 =	vld [tilespmem:s11+$0xFFFFFFF0]  }
0x10e: {  	v20 =	vmov s10;
	v10 =	vadd.s32 v1, v7;
	v11 =	vld [tilespmem:s11+$0x30];
	[tilespmem:v19+s23+$0x0] =	vst.idx.msk $0xffff, v9;
	v63 =	vmul.f32 $8.000000000e+00, v22  }
0x10f: {  	s8 =	simm.s32 $0xA680;
	s28 =	simm.s32 $0xB;
	v15 =	vadd.s32 v3, v15;
	v9 =	vand.u32 $0x7C, v20;
	v20 =	vmul.f32 $8.000000000e+00, v23;
	[tilespmem:v21+s23+$0x0] =	vst.idx.msk $0xffff, v14;
	v14 =	vld [tilespmem:s11+$0xFFFFFFB0]  }
0x110: {  	v17 =	vadd.s32 v3, v17;
	v22 =	vmov s28;
	v19 =	vld [tilespmem:s8+$0x40];
	s11 =	simm.s32 $0xC;
	v21 =	vmul.f32 $8.000000000e+00, v26;
	[tilespmem:v27+s23+$0x0] =	vst.idx.msk $0xffff, v63  }
.LBB2_15:
0x111: {  	p2 =	slt.u32 s11, $0x7C;
	s28 =	sadd.s32 $0x1, s10;
	v22 =	vand.u32 $0x7F, v22;
	[tilespmem:v18+s23+$0x0] =	vst.idx.msk $0xffff, v20;
	v13 =	vmul.f32 $8.000000000e+00, v13;
	v18 =	vld [tilespmem:s6+$0x60];
	v20 =	vadd.s32 v3, v8;
	v8 =	vmovc v4  }
0x112: {  	v4 =	vmovc v9;
	v23 =	vld [tilespmem:s8+$0xFFFFFF80];
	v24 =	vmov s28;
	s28 =	sadd.s32 $0x2, s10;
	v25 =	vadd.s32 v0, v22;
	[tilespmem:v16+s23+$0x0] =	vst.idx.msk $0xffff, v21;
	v12 =	vmul.f32 $8.000000000e+00, v12;
	s10 =	smov.u32 s11  }
0x113: {  	v9 =	vld [tilespmem:s8+$0xFFFFFFC0];
	v16 =	vmov s28;
	[tilespmem:v10+s23+$0x0] =	vst.idx.msk $0xffff, v13;
	v10 =	vadd.s32 v2, v5;
	v11 =	vmul.f32 $8.000000000e+00, v11  }
0x114: {  	v13 =	vadd.s32 v0, v4;
	v21 =	vand.u32 $0x7D, v24;
	v24 =	vld [tilespmem:s8+$0x0];
	v14 =	vmul.f32 $8.000000000e+00, v14;
	[tilespmem:v15+s23+$0x0] =	vst.idx.msk $0xffff, v12  }
0x115: {  	v12 =	vadd.s32 v0, v21;
	v26 =	vand.u32 $0x7E, v16;
	v15 =	vmul.f32 $8.000000000e+00, v19;
	v16 =	vld [tilespmem:s6+$0xFFFFFFE0];
	[tilespmem:v17+s23+$0x0] =	vst.idx.msk $0xffff, v11  }
0x116: {  	v11 =	vadd.s32 v0, v26;
	v17 =	vld [tilespmem:s6+$0x20];
	v18 =	vmul.f32 $8.000000000e+00, v18;
	[tilespmem:v20+s23+$0x0] =	vst.idx.msk $0xffff, v14  }
0x117: {  	v19 =	vadd.s32 v2, v6;
	v14 =	vmul.f32 $8.000000000e+00, v23;
	[tilespmem:v25+s23+$0x0] =	vst.idx.msk $0xffff, v15;
	v15 =	vld [tilespmem:s6+$0xFFFFFFA0]  }
0x118: {  	v23 =	vadd.s32 v2, v7;
	v9 =	vmul.f32 $8.000000000e+00, v9;
	v20 =	vld [tilespmem:s8+$0x50];
	[tilespmem:v10+s23+$0x0] =	vst.idx.msk $0xffff, v18  }
0x119: {  	[tilespmem:v13+s23+$0x0] =	vst.idx.msk $0xffff, v14;
	v10 =	vmul.f32 $8.000000000e+00, v24;
	v14 =	vadd.s32 v2, v8;
	v24 =	vld [tilespmem:s6+$0x70]  }
0x11a: {  	v27 =	vadd.s32 v1, v22;
	v25 =	vld [tilespmem:s8+$0xFFFFFF90];
	[tilespmem:v12+s23+$0x0] =	vst.idx.msk $0xffff, v9;
	v9 =	vmul.f32 $8.000000000e+00, v16  }
0x11b: {  	v29 =	vadd.s32 v3, v5;
	v5 =	vmov v22;
	v28 =	vld [tilespmem:s8+$0xFFFFFFD0];
	[tilespmem:v11+s23+$0x0] =	vst.idx.msk $0xffff, v10;
	v10 =	vmul.f32 $8.000000000e+00, v17  }
.Ltmp7:
0x11c: {  	v18 =	vadd.s32 v1, v4;
	v13 =	vld [tilespmem:s8+$0x10];
	v11 =	vmul.f32 $8.000000000e+00, v15;
	[tilespmem:v19+s23+$0x0] =	vst.idx.msk $0xffff, v9;
	(pc) =	sbr.rel @p2 .LBB2_15-.Ltmp7, $4  }
0x11d: {  	v16 =	vadd.s32 v1, v21;
	v15 =	vmul.f32 $8.000000000e+00, v20;
	v12 =	vld [tilespmem:s6+$0xFFFFFFF0];
	[tilespmem:v23+s23+$0x0] =	vst.idx.msk $0xffff, v10  }
0x11e: {  	v9 =	vmov s11;
	v10 =	vadd.s32 v1, v26;
	[tilespmem:v14+s23+$0x0] =	vst.idx.msk $0xffff, v11;
	v11 =	vld [tilespmem:s6+$0x30];
	v23 =	vmul.f32 $8.000000000e+00, v24  }
0x11f: {  	s28 =	sadd.s32 $0x3, s11;
	v9 =	vand.u32 $0x7C, v9;
	v20 =	vmul.f32 $8.000000000e+00, v25;
	[tilespmem:v27+s23+$0x0] =	vst.idx.msk $0xffff, v15;
	v14 =	vld [tilespmem:s6+$0xFFFFFFB0];
	v15 =	vadd.s32 v3, v6;
	v6 =	vmovc v21;
	s6 =	smov.u32 s8;
	s8 =	sadd.s32 $0x100, s8  }
0x120: {  	v22 =	vmov s28;
	v17 =	vadd.s32 v3, v7;
	v7 =	vmovc v26;
	s11 =	sadd.s32 $0x4, s11;
	v19 =	vld [tilespmem:s8+$0x40];
	v21 =	vmul.f32 $8.000000000e+00, v28;
	[tilespmem:v29+s23+$0x0] =	vst.idx.msk $0xffff, v23  }
0x121: {  	s11 =	sadd.s32 $0x1, s10;
	v22 =	vand.u32 $0x7F, v22;
	v28 =	vld [tilespmem:s8+$0xFFFFFF80]  }
0x122: {  	s29 =	sadd.s32 $0x2, s10;
	v24 =	vld [tilespmem:s8+$0xFFFFFFC0];
	v23 =	vmov s11;
	v25 =	vadd.s32 v0, v22  }
0x123: {  	v27 =	vld [tilespmem:s8+$0x0];
	v51 =	vadd.s32 v0, v9;
	v26 =	vmov s29;
	v23 =	vand.u32 $0x7D, v23  }
0x124: {  	v26 =	vand.u32 $0x7E, v26;
	v29 =	vadd.s32 v0, v23  }
0x125: {  	[tilespmem:v18+s23+$0x0] =	vst.idx.msk $0xffff, v20;
	v30 =	vadd.s32 v0, v26;
	v19 =	vmul.f32 $8.000000000e+00, v19  }
0x126: {  	[tilespmem:v16+s23+$0x0] =	vst.idx.msk $0xffff, v21;
	v54 =	vmul.f32 $8.000000000e+00, v28  }
0x127: {  	v52 =	vmul.f32 $8.000000000e+00, v24;
	[tilespmem:v25+s23+$0x0] =	vst.idx.msk $0xffff, v19  }
0x128: {  	v53 =	vmul.f32 $8.000000000e+00, v27;
	v55 =	vld [tilespmem:s8+$0x50];
	[tilespmem:v51+s23+$0x0] =	vst.idx.msk $0xffff, v54  }
0x129: {  	v13 =	vmul.f32 $8.000000000e+00, v13;
	v8 =	vadd.s32 v3, v8;
	[tilespmem:v29+s23+$0x0] =	vst.idx.msk $0xffff, v52;
	v59 =	vld [tilespmem:s8+$0xFFFFFF90]  }
0x12a: {  	v12 =	vmul.f32 $8.000000000e+00, v12;
	v57 =	vadd.s32 v1, v22;
	[tilespmem:v30+s23+$0x0] =	vst.idx.msk $0xffff, v53;
	v56 =	vld [tilespmem:s8+$0xFFFFFFD0]  }
0x12b: {  	[tilespmem:v10+s23+$0x0] =	vst.idx.msk $0xffff, v13;
	v58 =	vmul.f32 $8.000000000e+00, v11;
	v28 =	vadd.s32 v1, v9;
	v19 =	vld [tilespmem:s8+$0x10]  }
0x12c: {  	v61 =	vld [tilespmem:s6+$0x60];
	v60 =	vadd.s32 v1, v23;
	v14 =	vmul.f32 $8.000000000e+00, v14;
	[tilespmem:v15+s23+$0x0] =	vst.idx.msk $0xffff, v12  }
0x12d: {  	v32 =	vld [tilespmem:s6+$0xFFFFFFA0];
	v62 =	vadd.s32 v1, v26;
	[tilespmem:v17+s23+$0x0] =	vst.idx.msk $0xffff, v58;
	v16 =	vmul.f32 $8.000000000e+00, v55  }
0x12e: {  	[tilespmem:v8+s23+$0x0] =	vst.idx.msk $0xffff, v14;
	v29 =	vadd.s32 v2, v5;
	v30 =	vld [tilespmem:s6+$0x20];
	v11 =	vmul.f32 $8.000000000e+00, v59  }
0x12f: {  	v38 =	vadd.s32 v2, v4;
	v63 =	vld [tilespmem:s6+$0xFFFFFFE0];
	v31 =	vmul.f32 $8.000000000e+00, v56;
	[tilespmem:v57+s23+$0x0] =	vst.idx.msk $0xffff, v16  }
0x130: {  	v35 =	vadd.s32 v2, v7;
	v34 =	vmul.f32 $8.000000000e+00, v19;
	v36 =	vld [tilespmem:s8+$0x60];
	[tilespmem:v28+s23+$0x0] =	vst.idx.msk $0xffff, v11  }
0x131: {  	v33 =	vadd.s32 v2, v6;
	v37 =	vmul.f32 $8.000000000e+00, v61;
	[tilespmem:v60+s23+$0x0] =	vst.idx.msk $0xffff, v31;
	v43 =	vld [tilespmem:s8+$0xFFFFFFA0]  }
0x132: {  	v40 =	vadd.s32 v2, v22;
	v14 =	vmul.f32 $8.000000000e+00, v32;
	[tilespmem:v62+s23+$0x0] =	vst.idx.msk $0xffff, v34;
	v39 =	vld [tilespmem:s8+$0xFFFFFFE0]  }
0x133: {  	v48 =	vadd.s32 v2, v9;
	[tilespmem:v29+s23+$0x0] =	vst.idx.msk $0xffff, v37;
	v42 =	vmul.f32 $8.000000000e+00, v30;
	v41 =	vld [tilespmem:s8+$0x20]  }
0x134: {  	v44 =	vadd.s32 v2, v23;
	v15 =	vmul.f32 $8.000000000e+00, v63;
	[tilespmem:v38+s23+$0x0] =	vst.idx.msk $0xffff, v14;
	v45 =	vld [tilespmem:s6+$0x70]  }
0x135: {  	v46 =	vadd.s32 v2, v26;
	v14 =	vld [tilespmem:s6+$0xFFFFFFB0];
	[tilespmem:v35+s23+$0x0] =	vst.idx.msk $0xffff, v42;
	v47 =	vmul.f32 $8.000000000e+00, v36  }
0x136: {  	v5 =	vadd.s32 v3, v5;
	[tilespmem:v33+s23+$0x0] =	vst.idx.msk $0xffff, v15;
	v49 =	vld [tilespmem:s6+$0x30];
	v53 =	vmul.f32 $8.000000000e+00, v43  }
0x137: {  	v4 =	vadd.s32 v3, v4;
	v21 =	vld [tilespmem:s6+$0xFFFFFFF0];
	v12 =	vmul.f32 $8.000000000e+00, v39;
	[tilespmem:v40+s23+$0x0] =	vst.idx.msk $0xffff, v47  }
0x138: {  	v52 =	vadd.s32 v3, v7;
	v51 =	vmul.f32 $8.000000000e+00, v41;
	v10 =	vld [tilespmem:s8+$0x70];
	[tilespmem:v48+s23+$0x0] =	vst.idx.msk $0xffff, v53  }
0x139: {  	v50 =	vadd.s32 v3, v6;
	v54 =	vmul.f32 $8.000000000e+00, v45;
	[tilespmem:v44+s23+$0x0] =	vst.idx.msk $0xffff, v12;
	v59 =	vld [tilespmem:s8+$0xFFFFFFB0]  }
0x13a: {  	v57 =	vadd.s32 v3, v22;
	v14 =	vmul.f32 $8.000000000e+00, v14;
	[tilespmem:v46+s23+$0x0] =	vst.idx.msk $0xffff, v51;
	v55 =	vld [tilespmem:s8+$0xFFFFFFF0]  }
0x13b: {  	v62 =	vadd.s32 v3, v9;
	[tilespmem:v5+s23+$0x0] =	vst.idx.msk $0xffff, v54;
	v5 =	vmul.f32 $8.000000000e+00, v49;
	v58 =	vld [tilespmem:s8+$0x30]  }
0x13c: {  	v56 =	vmul.f32 $8.000000000e+00, v21;
	v60 =	vadd.s32 v3, v23;
	[tilespmem:v4+s23+$0x0] =	vst.idx.msk $0xffff, v14  }
0x13d: {  	v61 =	vadd.s32 v3, v26;
	[tilespmem:v52+s23+$0x0] =	vst.idx.msk $0xffff, v5;
	v5 =	vmul.f32 $8.000000000e+00, v10  }
0x13e: {  	s30 =	sshll.u32 s9, $0x12;
	[tilespmem:v50+s23+$0x0] =	vst.idx.msk $0xffff, v56;
	v63 =	vmul.f32 $8.000000000e+00, v59  }
0x13f: {  	s6 =	sor.u32 s5, s30;
	v4 =	vmul.f32 $8.000000000e+00, v55;
	[tilespmem:v57+s23+$0x0] =	vst.idx.msk $0xffff, v5  }
0x140: {  	s6 =	sshrl.u32 s6, $0x3;
	v5 =	vmul.f32 $8.000000000e+00, v58;
	[tilespmem:v62+s23+$0x0] =	vst.idx.msk $0xffff, v63  }
0x141: {  	s9 =	simm.s32 $0x200;
	s6 =	sadd.s32 s4, s6;
	[tilespmem:v60+s23+$0x0] =	vst.idx.msk $0xffff, v4  }
0x142: {  	s10 =	simm.s32 $0x12888;
	s11 =	sadd.s32 $0x0, s6;
	s8 =	simm.s32 $0x12800;
	[tilespmem:v61+s23+$0x0] =	vst.idx.msk $0xffff, v5  }
.LBB2_17:
0x143: {  	[hbm4b:s11+s1] =	stream.linear.scatter [tilespmem:s8], [sflag:$0x7], $0x80, $0x38;
	[tilespmem:$0x16C00] =	vst v63  }
0x144: {  	s11 =	smov.u32 s9;
	s8 =	smov.u32 s10;
	p2 =	sne.s32 s9, $0x7E00  }
.Ltmp8:
0x145: {  	s9 =	sadd.s32 $0x200, s9;
	(pc) =	sbr.rel @p2 .LBB2_17-.Ltmp8, $2  }
0x146: {  	_ =	sdelay $0x2  }
0x147: {  	s10 =	sadd.s32 $0x88, s10;
	s11 =	sadd.s32 s11, s6  }
.Ltmp9:
0x148: {  	(pc) =	sbr.rel @p1 .LBB2_20-.Ltmp9, $2  }
0x149: {  	_ =	sdelay $0x2  }
0x14a: {  	[hbm4b:s11+s1] =	stream.linear.scatter [tilespmem:s8], [sflag:$0x7], $0x80, $0x38;
	[tilespmem:$0x16C00] =	vst v63  }
.Ltmp10:
0x14b: {  	(pc) =	sbr.rel .LBB2_21-.Ltmp10, $4  }
0x14c: {  	_ = 	snop  }
0x14d: {  	_ =	swait.ge [sflag:s24], $0x2000  }
0x14e: {  	[sflag:s24] =	ssyncset.done $0x0  }
0x14f: {  	[sflag:s24] =	ssyncadd.s32 $0xFFFFE000  }
.LBB2_20:
0x150: {  	s0 =	sadd.s32 $0x280, s0  }
.Ltmp11:
0x151: {  	s0 =	sand.u32 $0xFE80, s0;
	(pc) =	sbr.rel @p0 .LBB2_22-.Ltmp11, $4  }
0x152: {  	[tilespmem:s14], [sflag:$0x2] =	stream.indirect.gather [hbm4b:s3+s12], $0x40, s0, s12, $0xb8;
	[tilespmem:$0x16C00] =	vst v63  }
0x153: {  	_ =	swait.ge [sflag:s24], $0x2000  }
0x154: {  	[sflag:s24] =	ssyncset.done $0x0  }
0x155: {  	[sflag:s24] =	ssyncadd.s32 $0xFFFFE000  }
.LBB2_21:
0x156: {  	_ =	swait.ge [sflag:s25], $0x2000  }
0x157: {  	[sflag:s25] =	ssyncset.done $0x0  }
0x158: {  	[sflag:s25] =	ssyncadd.s32 $0xFFFFE000  }
.LBB2_22:
0x159: {  	s9 =	simm.s32 $0xC480;
	s0 =	simm.s32 $0x3  }
0x15a: {  	v4 =	vmov s0;
	v5 =	vld [tilespmem:s9+$0x40]  }
0x15b: {  	v9 =	vand.u32 $0x7F, v4  }
0x15c: {  	s10 =	simm.s32 $0x0;
	v4 =	vadd.s32 v0, v9  }
0x15d: {  	s11 =	simm.s32 $0x1;
	s6 =	simm.s32 $0x2;
	v6 =	vmov s10;
	v7 =	vld [tilespmem:s9+$0xFFFFFF80]  }
0x15e: {  	v10 =	vld [tilespmem:s9+$0xFFFFFFC0];
	v11 =	vmov s6;
	v8 =	vand.u32 $0x7C, v6;
	v6 =	vmov s11  }
0x15f: {  	v12 =	vadd.s32 v0, v8;
	v15 =	vand.u32 $0x7D, v6;
	v6 =	vld [tilespmem:s9+$0x0];
	v5 =	vmul.f32 $8.000000000e+00, v5  }
0x160: {  	v17 =	vand.u32 $0x7E, v11;
	v13 =	vadd.s32 v0, v15  }
0x161: {  	v11 =	vadd.s32 v0, v17;
	[tilespmem:v4+s26+$0x0] =	vst.idx.msk $0xffff, v5  }
0x162: {  	v4 =	vmul.f32 $8.000000000e+00, v7;
	v5 =	vld [tilespmem:s9+$0x50]  }
0x163: {  	v7 =	vmul.f32 $8.000000000e+00, v10  }
0x164: {  	[tilespmem:v12+s26+$0x0] =	vst.idx.msk $0xffff, v4;
	v4 =	vmul.f32 $8.000000000e+00, v6;
	v6 =	vadd.s32 v1, v9  }
0x165: {  	[tilespmem:v13+s26+$0x0] =	vst.idx.msk $0xffff, v7;
	v10 =	vld [tilespmem:s9+$0xFFFFFF90]  }
0x166: {  	v7 =	vld [tilespmem:s9+$0xFFFFFFD0];
	[tilespmem:v11+s26+$0x0] =	vst.idx.msk $0xffff, v4  }
0x167: {  	v11 =	vld [tilespmem:s9+$0x10];
	v4 =	vmul.f32 $8.000000000e+00, v5  }
0x168: {  	s28 =	simm.s32 $0x4;
	s8 =	simm.s32 $0x7;
	s0 =	simm.s32 $0xC580;
	v12 =	vadd.s32 v1, v15  }
0x169: {  	v14 =	vld [tilespmem:s0+$0x40];
	v13 =	vadd.s32 v1, v17;
	v5 =	vmov s28;
	[tilespmem:v6+s26+$0x0] =	vst.idx.msk $0xffff, v4;
	v6 =	vmov s8  }
0x16a: {  	v16 =	vadd.s32 v1, v8;
	v4 =	vand.u32 $0x7C, v5;
	v5 =	vand.u32 $0x7F, v6;
	v18 =	vld [tilespmem:s9+$0x60]  }
0x16b: {  	s29 =	simm.s32 $0x5;
	v19 =	vld [tilespmem:s0+$0xFFFFFF80];
	v22 =	vadd.s32 v2, v9;
	v6 =	vmul.f32 $8.000000000e+00, v7;
	v20 =	vadd.s32 v0, v5  }
0x16c: {  	s30 =	simm.s32 $0x6;
	v21 =	vld [tilespmem:s0+$0xFFFFFFC0];
	v10 =	vmul.f32 $8.000000000e+00, v10;
	v7 =	vmul.f32 $8.000000000e+00, v11;
	v11 =	vmov s29  }
0x16d: {  	v23 =	vadd.s32 v0, v4;
	[tilespmem:v12+s26+$0x0] =	vst.idx.msk $0xffff, v6;
	v12 =	vmov s30;
	v6 =	vand.u32 $0x7D, v11;
	v11 =	vld [tilespmem:s0+$0x0]  }
0x16e: {  	[tilespmem:v13+s26+$0x0] =	vst.idx.msk $0xffff, v7;
	v13 =	vadd.s32 v0, v6;
	v7 =	vand.u32 $0x7E, v12;
	v12 =	vmul.f32 $8.000000000e+00, v14;
	v14 =	vld [tilespmem:s9+$0xFFFFFFE0]  }
0x16f: {  	[tilespmem:v16+s26+$0x0] =	vst.idx.msk $0xffff, v10;
	v10 =	vadd.s32 v0, v7;
	v16 =	vld [tilespmem:s9+$0x20];
	v18 =	vmul.f32 $8.000000000e+00, v18  }
0x170: {  	v19 =	vmul.f32 $8.000000000e+00, v19;
	[tilespmem:v20+s26+$0x0] =	vst.idx.msk $0xffff, v12;
	v12 =	vld [tilespmem:s9+$0xFFFFFFA0];
	v20 =	vadd.s32 v2, v15  }
0x171: {  	v25 =	vadd.s32 v2, v17;
	v21 =	vmul.f32 $8.000000000e+00, v21;
	v24 =	vld [tilespmem:s0+$0x50];
	[tilespmem:v22+s26+$0x0] =	vst.idx.msk $0xffff, v18  }
0x172: {  	[tilespmem:v23+s26+$0x0] =	vst.idx.msk $0xffff, v19;
	v19 =	vadd.s32 v2, v8;
	v11 =	vmul.f32 $8.000000000e+00, v11;
	v22 =	vld [tilespmem:s9+$0x70]  }
0x173: {  	v23 =	vld [tilespmem:s0+$0xFFFFFF90];
	[tilespmem:v13+s26+$0x0] =	vst.idx.msk $0xffff, v21;
	v21 =	vadd.s32 v1, v5;
	v14 =	vmul.f32 $8.000000000e+00, v14  }
0x174: {  	v27 =	vadd.s32 v3, v9;
	v26 =	vld [tilespmem:s0+$0xFFFFFFD0];
	[tilespmem:v10+s26+$0x0] =	vst.idx.msk $0xffff, v11;
	v10 =	vmul.f32 $8.000000000e+00, v16  }
0x175: {  	v18 =	vadd.s32 v1, v4;
	v13 =	vld [tilespmem:s0+$0x10];
	v9 =	vmul.f32 $8.000000000e+00, v12;
	[tilespmem:v20+s26+$0x0] =	vst.idx.msk $0xffff, v14  }
0x176: {  	s8 =	simm.s32 $0x8;
	v16 =	vadd.s32 v1, v6;
	[tilespmem:v25+s26+$0x0] =	vst.idx.msk $0xffff, v10;
	v14 =	vmul.f32 $8.000000000e+00, v24;
	v12 =	vld [tilespmem:s9+$0xFFFFFFF0]  }
0x177: {  	v20 =	vmov s8;
	v10 =	vadd.s32 v1, v7;
	v11 =	vld [tilespmem:s9+$0x30];
	[tilespmem:v19+s26+$0x0] =	vst.idx.msk $0xffff, v9;
	v63 =	vmul.f32 $8.000000000e+00, v22  }
0x178: {  	s10 =	simm.s32 $0xB;
	s6 =	simm.s32 $0xC680;
	v15 =	vadd.s32 v3, v15;
	v9 =	vand.u32 $0x7C, v20;
	v20 =	vmul.f32 $8.000000000e+00, v23;
	[tilespmem:v21+s26+$0x0] =	vst.idx.msk $0xffff, v14;
	v14 =	vld [tilespmem:s9+$0xFFFFFFB0]  }
0x179: {  	v17 =	vadd.s32 v3, v17;
	v22 =	vmov s10;
	v19 =	vld [tilespmem:s6+$0x40];
	s9 =	simm.s32 $0xC;
	v21 =	vmul.f32 $8.000000000e+00, v26;
	[tilespmem:v27+s26+$0x0] =	vst.idx.msk $0xffff, v63  }
.LBB2_23:
0x17a: {  	p0 =	slt.u32 s9, $0x7C;
	s10 =	sadd.s32 $0x1, s8;
	v22 =	vand.u32 $0x7F, v22;
	[tilespmem:v18+s26+$0x0] =	vst.idx.msk $0xffff, v20;
	v13 =	vmul.f32 $8.000000000e+00, v13;
	v18 =	vld [tilespmem:s0+$0x60];
	v20 =	vadd.s32 v3, v8;
	v8 =	vmovc v4  }
0x17b: {  	v4 =	vmovc v9;
	v23 =	vld [tilespmem:s6+$0xFFFFFF80];
	v24 =	vmov s10;
	s10 =	sadd.s32 $0x2, s8;
	v25 =	vadd.s32 v0, v22;
	[tilespmem:v16+s26+$0x0] =	vst.idx.msk $0xffff, v21;
	v12 =	vmul.f32 $8.000000000e+00, v12;
	s8 =	smov.u32 s9  }
0x17c: {  	v9 =	vld [tilespmem:s6+$0xFFFFFFC0];
	v16 =	vmov s10;
	[tilespmem:v10+s26+$0x0] =	vst.idx.msk $0xffff, v13;
	v10 =	vadd.s32 v2, v5;
	v11 =	vmul.f32 $8.000000000e+00, v11  }
0x17d: {  	v13 =	vadd.s32 v0, v4;
	v21 =	vand.u32 $0x7D, v24;
	v24 =	vld [tilespmem:s6+$0x0];
	v14 =	vmul.f32 $8.000000000e+00, v14;
	[tilespmem:v15+s26+$0x0] =	vst.idx.msk $0xffff, v12  }
0x17e: {  	v12 =	vadd.s32 v0, v21;
	v26 =	vand.u32 $0x7E, v16;
	v15 =	vmul.f32 $8.000000000e+00, v19;
	v16 =	vld [tilespmem:s0+$0xFFFFFFE0];
	[tilespmem:v17+s26+$0x0] =	vst.idx.msk $0xffff, v11  }
0x17f: {  	v11 =	vadd.s32 v0, v26;
	v17 =	vld [tilespmem:s0+$0x20];
	v18 =	vmul.f32 $8.000000000e+00, v18;
	[tilespmem:v20+s26+$0x0] =	vst.idx.msk $0xffff, v14  }
0x180: {  	v19 =	vadd.s32 v2, v6;
	v14 =	vmul.f32 $8.000000000e+00, v23;
	[tilespmem:v25+s26+$0x0] =	vst.idx.msk $0xffff, v15;
	v15 =	vld [tilespmem:s0+$0xFFFFFFA0]  }
0x181: {  	v23 =	vadd.s32 v2, v7;
	v9 =	vmul.f32 $8.000000000e+00, v9;
	v20 =	vld [tilespmem:s6+$0x50];
	[tilespmem:v10+s26+$0x0] =	vst.idx.msk $0xffff, v18  }
0x182: {  	[tilespmem:v13+s26+$0x0] =	vst.idx.msk $0xffff, v14;
	v10 =	vmul.f32 $8.000000000e+00, v24;
	v14 =	vadd.s32 v2, v8;
	v24 =	vld [tilespmem:s0+$0x70]  }
0x183: {  	v27 =	vadd.s32 v1, v22;
	v25 =	vld [tilespmem:s6+$0xFFFFFF90];
	[tilespmem:v12+s26+$0x0] =	vst.idx.msk $0xffff, v9;
	v9 =	vmul.f32 $8.000000000e+00, v16  }
0x184: {  	v29 =	vadd.s32 v3, v5;
	v5 =	vmov v22;
	v28 =	vld [tilespmem:s6+$0xFFFFFFD0];
	[tilespmem:v11+s26+$0x0] =	vst.idx.msk $0xffff, v10;
	v10 =	vmul.f32 $8.000000000e+00, v17  }
.Ltmp12:
0x185: {  	v18 =	vadd.s32 v1, v4;
	v13 =	vld [tilespmem:s6+$0x10];
	v11 =	vmul.f32 $8.000000000e+00, v15;
	[tilespmem:v19+s26+$0x0] =	vst.idx.msk $0xffff, v9;
	(pc) =	sbr.rel @p0 .LBB2_23-.Ltmp12, $4  }
0x186: {  	v16 =	vadd.s32 v1, v21;
	v15 =	vmul.f32 $8.000000000e+00, v20;
	v12 =	vld [tilespmem:s0+$0xFFFFFFF0];
	[tilespmem:v23+s26+$0x0] =	vst.idx.msk $0xffff, v10  }
0x187: {  	v9 =	vmov s9;
	v10 =	vadd.s32 v1, v26;
	[tilespmem:v14+s26+$0x0] =	vst.idx.msk $0xffff, v11;
	v11 =	vld [tilespmem:s0+$0x30];
	v23 =	vmul.f32 $8.000000000e+00, v24  }
0x188: {  	s10 =	sadd.s32 $0x3, s9;
	v9 =	vand.u32 $0x7C, v9;
	v20 =	vmul.f32 $8.000000000e+00, v25;
	[tilespmem:v27+s26+$0x0] =	vst.idx.msk $0xffff, v15;
	v14 =	vld [tilespmem:s0+$0xFFFFFFB0];
	v15 =	vadd.s32 v3, v6;
	v6 =	vmovc v21;
	s0 =	smov.u32 s6;
	s6 =	sadd.s32 $0x100, s6  }
0x189: {  	v22 =	vmov s10;
	v17 =	vadd.s32 v3, v7;
	v7 =	vmovc v26;
	s9 =	sadd.s32 $0x4, s9;
	v19 =	vld [tilespmem:s6+$0x40];
	v21 =	vmul.f32 $8.000000000e+00, v28;
	[tilespmem:v29+s26+$0x0] =	vst.idx.msk $0xffff, v23  }
0x18a: {  	s9 =	sadd.s32 $0x1, s8;
	v22 =	vand.u32 $0x7F, v22;
	v28 =	vld [tilespmem:s6+$0xFFFFFF80]  }
0x18b: {  	s29 =	sadd.s32 $0x2, s8;
	v24 =	vld [tilespmem:s6+$0xFFFFFFC0];
	v23 =	vmov s9;
	v25 =	vadd.s32 v0, v22  }
0x18c: {  	v27 =	vld [tilespmem:s6+$0x0];
	v51 =	vadd.s32 v0, v9;
	v26 =	vmov s29;
	v23 =	vand.u32 $0x7D, v23  }
0x18d: {  	v26 =	vand.u32 $0x7E, v26;
	v29 =	vadd.s32 v0, v23  }
0x18e: {  	[tilespmem:v18+s26+$0x0] =	vst.idx.msk $0xffff, v20;
	v30 =	vadd.s32 v0, v26;
	v19 =	vmul.f32 $8.000000000e+00, v19  }
0x18f: {  	[tilespmem:v16+s26+$0x0] =	vst.idx.msk $0xffff, v21;
	v54 =	vmul.f32 $8.000000000e+00, v28  }
0x190: {  	v52 =	vmul.f32 $8.000000000e+00, v24;
	[tilespmem:v25+s26+$0x0] =	vst.idx.msk $0xffff, v19  }
0x191: {  	v53 =	vmul.f32 $8.000000000e+00, v27;
	v55 =	vld [tilespmem:s6+$0x50];
	[tilespmem:v51+s26+$0x0] =	vst.idx.msk $0xffff, v54  }
0x192: {  	v13 =	vmul.f32 $8.000000000e+00, v13;
	v8 =	vadd.s32 v3, v8;
	[tilespmem:v29+s26+$0x0] =	vst.idx.msk $0xffff, v52;
	v59 =	vld [tilespmem:s6+$0xFFFFFF90]  }
0x193: {  	v12 =	vmul.f32 $8.000000000e+00, v12;
	v57 =	vadd.s32 v1, v22;
	[tilespmem:v30+s26+$0x0] =	vst.idx.msk $0xffff, v53;
	v56 =	vld [tilespmem:s6+$0xFFFFFFD0]  }
0x194: {  	[tilespmem:v10+s26+$0x0] =	vst.idx.msk $0xffff, v13;
	v58 =	vmul.f32 $8.000000000e+00, v11;
	v28 =	vadd.s32 v1, v9;
	v19 =	vld [tilespmem:s6+$0x10]  }
0x195: {  	v61 =	vld [tilespmem:s0+$0x60];
	v60 =	vadd.s32 v1, v23;
	v14 =	vmul.f32 $8.000000000e+00, v14;
	[tilespmem:v15+s26+$0x0] =	vst.idx.msk $0xffff, v12  }
0x196: {  	v32 =	vld [tilespmem:s0+$0xFFFFFFA0];
	v62 =	vadd.s32 v1, v26;
	[tilespmem:v17+s26+$0x0] =	vst.idx.msk $0xffff, v58;
	v16 =	vmul.f32 $8.000000000e+00, v55  }
0x197: {  	[tilespmem:v8+s26+$0x0] =	vst.idx.msk $0xffff, v14;
	v29 =	vadd.s32 v2, v5;
	v30 =	vld [tilespmem:s0+$0x20];
	v11 =	vmul.f32 $8.000000000e+00, v59  }
0x198: {  	v38 =	vadd.s32 v2, v4;
	v63 =	vld [tilespmem:s0+$0xFFFFFFE0];
	v31 =	vmul.f32 $8.000000000e+00, v56;
	[tilespmem:v57+s26+$0x0] =	vst.idx.msk $0xffff, v16  }
0x199: {  	v35 =	vadd.s32 v2, v7;
	v34 =	vmul.f32 $8.000000000e+00, v19;
	v36 =	vld [tilespmem:s6+$0x60];
	[tilespmem:v28+s26+$0x0] =	vst.idx.msk $0xffff, v11  }
0x19a: {  	v33 =	vadd.s32 v2, v6;
	v37 =	vmul.f32 $8.000000000e+00, v61;
	[tilespmem:v60+s26+$0x0] =	vst.idx.msk $0xffff, v31;
	v43 =	vld [tilespmem:s6+$0xFFFFFFA0]  }
0x19b: {  	v40 =	vadd.s32 v2, v22;
	v14 =	vmul.f32 $8.000000000e+00, v32;
	[tilespmem:v62+s26+$0x0] =	vst.idx.msk $0xffff, v34;
	v39 =	vld [tilespmem:s6+$0xFFFFFFE0]  }
0x19c: {  	v48 =	vadd.s32 v2, v9;
	[tilespmem:v29+s26+$0x0] =	vst.idx.msk $0xffff, v37;
	v42 =	vmul.f32 $8.000000000e+00, v30;
	v41 =	vld [tilespmem:s6+$0x20]  }
0x19d: {  	v44 =	vadd.s32 v2, v23;
	v15 =	vmul.f32 $8.000000000e+00, v63;
	[tilespmem:v38+s26+$0x0] =	vst.idx.msk $0xffff, v14;
	v45 =	vld [tilespmem:s0+$0x70]  }
0x19e: {  	v46 =	vadd.s32 v2, v26;
	v14 =	vld [tilespmem:s0+$0xFFFFFFB0];
	[tilespmem:v35+s26+$0x0] =	vst.idx.msk $0xffff, v42;
	v47 =	vmul.f32 $8.000000000e+00, v36  }
0x19f: {  	v5 =	vadd.s32 v3, v5;
	[tilespmem:v33+s26+$0x0] =	vst.idx.msk $0xffff, v15;
	v49 =	vld [tilespmem:s0+$0x30];
	v53 =	vmul.f32 $8.000000000e+00, v43  }
0x1a0: {  	v4 =	vadd.s32 v3, v4;
	v21 =	vld [tilespmem:s0+$0xFFFFFFF0];
	v12 =	vmul.f32 $8.000000000e+00, v39;
	[tilespmem:v40+s26+$0x0] =	vst.idx.msk $0xffff, v47  }
0x1a1: {  	v52 =	vadd.s32 v3, v7;
	v51 =	vmul.f32 $8.000000000e+00, v41;
	v10 =	vld [tilespmem:s6+$0x70];
	[tilespmem:v48+s26+$0x0] =	vst.idx.msk $0xffff, v53  }
0x1a2: {  	v50 =	vadd.s32 v3, v6;
	v54 =	vmul.f32 $8.000000000e+00, v45;
	[tilespmem:v44+s26+$0x0] =	vst.idx.msk $0xffff, v12;
	v59 =	vld [tilespmem:s6+$0xFFFFFFB0]  }
0x1a3: {  	v57 =	vadd.s32 v3, v22;
	v14 =	vmul.f32 $8.000000000e+00, v14;
	[tilespmem:v46+s26+$0x0] =	vst.idx.msk $0xffff, v51;
	v55 =	vld [tilespmem:s6+$0xFFFFFFF0]  }
0x1a4: {  	v62 =	vadd.s32 v3, v9;
	[tilespmem:v5+s26+$0x0] =	vst.idx.msk $0xffff, v54;
	v5 =	vmul.f32 $8.000000000e+00, v49;
	v58 =	vld [tilespmem:s6+$0x30]  }
0x1a5: {  	v56 =	vmul.f32 $8.000000000e+00, v21;
	v60 =	vadd.s32 v3, v23;
	[tilespmem:v4+s26+$0x0] =	vst.idx.msk $0xffff, v14  }
0x1a6: {  	v61 =	vadd.s32 v3, v26;
	[tilespmem:v52+s26+$0x0] =	vst.idx.msk $0xffff, v5;
	v5 =	vmul.f32 $8.000000000e+00, v10  }
0x1a7: {  	s30 =	sshll.u32 s2, $0x12;
	[tilespmem:v50+s26+$0x0] =	vst.idx.msk $0xffff, v56;
	v63 =	vmul.f32 $8.000000000e+00, v59  }
0x1a8: {  	s0 =	sor.u32 s5, s30;
	v4 =	vmul.f32 $8.000000000e+00, v55;
	[tilespmem:v57+s26+$0x0] =	vst.idx.msk $0xffff, v5  }
0x1a9: {  	s0 =	sshrl.u32 s0, $0x3;
	v5 =	vmul.f32 $8.000000000e+00, v58;
	[tilespmem:v62+s26+$0x0] =	vst.idx.msk $0xffff, v63  }
0x1aa: {  	s2 =	simm.s32 $0x14A00;
	s0 =	sadd.s32 s4, s0;
	[tilespmem:v60+s26+$0x0] =	vst.idx.msk $0xffff, v4  }
0x1ab: {  	s8 =	simm.s32 $0x14A88;
	s9 =	sadd.s32 $0x0, s0;
	s6 =	simm.s32 $0x200;
	[tilespmem:v61+s26+$0x0] =	vst.idx.msk $0xffff, v5  }
.LBB2_25:
0x1ac: {  	[hbm4b:s9+s1] =	stream.linear.scatter [tilespmem:s2], [sflag:$0x8], $0x80, $0x38;
	[tilespmem:$0x16C00] =	vst v63  }
0x1ad: {  	s9 =	smov.u32 s6;
	s2 =	smov.u32 s8;
	p0 =	sne.s32 s6, $0x7E00  }
.Ltmp13:
0x1ae: {  	s6 =	sadd.s32 $0x200, s6;
	(pc) =	sbr.rel @p0 .LBB2_25-.Ltmp13, $2  }
0x1af: {  	_ =	sdelay $0x2  }
0x1b0: {  	s8 =	sadd.s32 $0x88, s8;
	s9 =	sadd.s32 s9, s0  }
0x1b1: {  	s31 =	sadd.s32 $0x1, s31  }
0x1b2: {  	p0 =	sne.s32 s31, $0x32  }
.Ltmp14:
0x1b3: {  	_ = 	snop;
	(pc) =	sbr.rel @p0 .LBB2_2-.Ltmp14, $2  }
0x1b4: {  	_ =	sdelay $0x2  }
0x1b5: {  	[hbm4b:s9+s1] =	stream.linear.scatter [tilespmem:s2], [sflag:$0x8], $0x80, $0x38;
	[tilespmem:$0x16C00] =	vst v63  }
0x1b6: {  	s0 =	simm.s32 $0x5  }
0x1b7: {  	_ =	swait.ge [sflag:s0], $0x2000  }
0x1b8: {  	[sflag:s0] =	ssyncset.done $0x0  }
0x1b9: {  	s30 =	simm.s32 $0x6;
	[sflag:s0] =	ssyncadd.s32 $0xFFFFE000  }
0x1ba: {  	_ =	swait.ge [sflag:s30], $0x2000  }
0x1bb: {  	[sflag:s30] =	ssyncset.done $0x0  }
0x1bc: {  	[sflag:s30] =	ssyncadd.s32 $0xFFFFE000  }
0x1bd: {  	_ =	swait.ge [sflag:s22], $0x2000  }
0x1be: {  	[sflag:s22] =	ssyncset.done $0x0  }
0x1bf: {  	[sflag:s22] =	ssyncadd.s32 $0xFFFFE000  }
0x1c0: {  	_ =	swait.ge [sflag:s25], $0x2000  }
0x1c1: {  	s2 =	rddreg [dreg:$0x5]  }
0x1c2: {  	s31 =	rddreg [dreg:$0x4];
	s2 =	sadd.s32 $0x1, s2  }
0x1c3: {  	p0 =	sne.s32 s2, s31  }
.Ltmp15:
0x1c4: {  	_ = 	snop;
	(pc) =	sbr.rel @p0 .LBB2_1-.Ltmp15, $3  }
0x1c5: {  	_ =	sdelay $0x1  }
0x1c6: {  	[sflag:s25] =	ssyncset.done $0x0  }
0x1c7: {  	[sflag:s25] =	ssyncadd.s32 $0xFFFFE000  }
0x1c8: {  	_ =	sfence.sel $0x180000  }
0x1c9: {  	[bflag:$0x0] =	sbarrier.arrive $0xFFFF  }
0x1ca: {  	_ =	strace $0x90000047  }
0x1cb: {  	s0 =	stileid.u32;
	[bflag:$0x2] =	sbarrier.arrive $0xFFFF  }
0x1cc: {  	p0 =	sne.s32 s0, $0x0;
	s0 =	rddreg [dreg:$0x2]  }
0x1cd: {  	s0 =	sadd.s32 @!p0 $0x100000, s0  }
0x1ce: {  	[sflag:s0] =	ssyncadd.tile.s32 @!p0 $0x1;
	_ =	shalt  }
.Lfunc_end2:
_tile_overlayer_lowered:
.L_overlay_start_2:
0x1cf: {  	(tag) =	ssettag $0x2  }
0x1d0: {  	s0 =	rddreg [dreg:$0x0];
	s2 =	stileid.u32  }
0x1d1: {  	s1 =	rddreg [dreg:$0x1];
	p0 =	sne.s32 s2, $0x0  }
0x1d2: {  	s3 =	rddreg [dreg:$0x2];
	[bflag:$0x3] =	sbarrier.arrive $0xFFFF;
	s2 =	simm.s32 @!p0 $0x1C09  }
0x1d3: {  	[timem:s3], [sflag:s2] =	dma.local @!p0 [hbm:s0], s1  }
0x1d4: {  	s0 =	simm.s32 @!p0 $0x9  }
0x1d5: {  	_ =	swait.ge @!p0 [sflag:s0], s1  }
0x1d6: {  	s1 =	ssub.s32 @!p0 $0x0, s1;
	[sflag:s0] =	ssyncset.done @!p0 $0x0  }
0x1d7: {  	[sflag:s0] =	ssyncadd.s32 @!p0 s1  }
0x1d8: {  	[bflag:$0x3] =	sbarrier.arrive $0xFFFF  }
0x1d9: {  	_ =	shalt  }

</sc_bundles>
